<compile_context>
chip_gen: v7x
topology: tpu7x:2x2x1
jax: 0.10.2.dev20260603
libtpu: 0.0.44.dev20260713+nightly
codegen_flags: <defaults>
</compile_context>

<pallas_src>
import functools

import jax
import jax.numpy as jnp
from jax import lax
from jax.experimental import pallas as pl
from jax.experimental.pallas import tpu as pltpu
from jax.experimental.pallas import tpu_sc as plsc

BUCKETS = 1000000
MOD = BUCKETS - 1
EDIM = 32
MDIM = 128
B = 4096
SEQ = 200
TOTAL = B * SEQ

LANES = 16
NW = 32
PER_W = TOTAL // NW
CHUNK = 1280
NCHUNK = PER_W // CHUNK
GSZ = 128
NG = CHUNK // GSZ

KB = 32768
QSHIFT = (KB // 4).bit_length() - 1
NPBLK = -(-BUCKETS // KB)
PROWS = NPBLK * (KB // 4)


def _sc_hash():
    mesh = plsc.VectorSubcoreMesh(core_axis_name="c", subcore_axis_name="s")

    @functools.partial(
        pl.kernel,
        mesh=mesh,
        compiler_params=pltpu.CompilerParams(use_tc_tiling_on_sc=False),
        out_type=jax.ShapeDtypeStruct((TOTAL,), jnp.int32),
        scratch_types=[
            pltpu.VMEM((PER_W,), jnp.int32),
            pltpu.VMEM((PER_W,), jnp.int32),
            pltpu.VMEM((PER_W,), jnp.int32),
        ],
    )
    def body(cur_hbm, prev_hbm, idx_hbm, cur_v, prev_v, idx_v):
        wid = lax.axis_index("s") * 2 + lax.axis_index("c")
        wbase = wid * PER_W
        pltpu.sync_copy(cur_hbm.at[pl.ds(wbase, PER_W)], cur_v)
        pltpu.sync_copy(prev_hbm.at[pl.ds(wbase, PER_W)], prev_v)

        def hash_body(i, c2):
            off = i * LANES
            t1 = cur_v[pl.ds(off, LANES)]
            t0 = prev_v[pl.ds(off, LANES)]
            a = t1 * jnp.int32(36313)
            bb = t0 * jnp.int32(27191)
            r = lax.rem(lax.bitwise_xor(a, bb), jnp.int32(MOD))
            r = jnp.where(r < 0, r + jnp.int32(MOD), r)
            p = wbase + off + lax.iota(jnp.int32, LANES)
            first = lax.rem(p, jnp.int32(SEQ)) == 0
            r = jnp.where(first, jnp.int32(MOD), r)
            j = lax.bitwise_and(r, jnp.int32(KB - 1))
            qd = (r - j) + lax.shift_left(
                lax.bitwise_and(j, jnp.int32(KB // 4 - 1)), 2
            ) + lax.shift_right_logical(j, QSHIFT)
            idx_v[pl.ds(off, LANES)] = qd
            return c2

        lax.fori_loop(0, PER_W // LANES, hash_body, 0)
        pltpu.sync_copy(idx_v, idx_hbm.at[pl.ds(wbase, PER_W)])

    return body


def _sc_gather():
    mesh = plsc.VectorSubcoreMesh(core_axis_name="c", subcore_axis_name="s")

    @functools.partial(
        pl.kernel,
        mesh=mesh,
        compiler_params=pltpu.CompilerParams(use_tc_tiling_on_sc=False),
        out_type=jax.ShapeDtypeStruct((TOTAL, EDIM), jnp.float32),
        scratch_types=[
            pltpu.VMEM((PER_W,), jnp.int32),
            pltpu.VMEM((2, CHUNK, EDIM), jnp.float32),
            pltpu.SemaphoreType.DMA((2,)),
            pltpu.SemaphoreType.DMA((2,)),
        ],
    )
    def body(idx_hbm, emb_hbm, out_hbm, idx_v, rows_v, gsem, osem):
        wid = lax.axis_index("s") * 2 + lax.axis_index("c")
        wbase = wid * PER_W
        pltpu.sync_copy(idx_hbm.at[pl.ds(wbase, PER_W)], idx_v)

        def fire(s, slot):
            for g in range(NG):
                pltpu.async_copy(
                    emb_hbm.at[idx_v.at[pl.ds(s * CHUNK + g * GSZ, GSZ)]],
                    rows_v.at[slot, pl.ds(g * GSZ, GSZ)],
                    gsem.at[slot],
                )

        def drain(sem_arr, slot):
            pltpu.make_async_copy(
                emb_hbm.at[pl.ds(0, CHUNK)], rows_v.at[slot], sem_arr.at[slot]
            ).wait()

        fire(0, 0)

        def chunk_body(s, carry):
            slot = lax.rem(s, 2)
            drain(gsem, slot)

            @pl.when(s + 1 < NCHUNK)
            def _():
                @pl.when(s >= 1)
                def _():
                    drain(osem, 1 - slot)
                fire(s + 1, 1 - slot)

            pltpu.async_copy(
                rows_v.at[slot],
                out_hbm.at[pl.ds(wbase + s * CHUNK, CHUNK)],
                osem.at[slot],
            )
            return carry

        lax.fori_loop(0, NCHUNK, chunk_body, 0)
        drain(osem, 0)
        drain(osem, 1)

    return body


_HASH = _sc_hash()
_GATHER = _sc_gather()

def _pack_body(t_ref, o_ref):
    t = t_ref[...]
    r = jnp.transpose(t, (1, 0))
    q = KB // 4
    o_ref[:, 0:32] = r[0:q]
    o_ref[:, 32:64] = r[q:2 * q]
    o_ref[:, 64:96] = r[2 * q:3 * q]
    o_ref[:, 96:128] = r[3 * q:4 * q]


def _pack_table(emb_t):
    return pl.pallas_call(
        _pack_body,
        grid=(NPBLK,),
        in_specs=[pl.BlockSpec((EDIM, KB), lambda i: (0, i))],
        out_specs=pl.BlockSpec((KB // 4, 128), lambda i: (i, 0)),
        out_shape=jax.ShapeDtypeStruct((PROWS, 128), jnp.float32),
    )(emb_t)


PACK = MDIM // EDIM
BBLK = 64


def _proj_body(h_ref, p_ref, o_ref):
    r = lax.dot_general(
        h_ref[...], p_ref[...], (((1,), (0,)), ((), ())),
        preferred_element_type=jnp.float32,
    )
    o_ref[...] = r.reshape(BBLK * SEQ, MDIM)


def _project(h_packed, p4):
    rows_blk = BBLK * SEQ // PACK
    grid = (B // BBLK,)
    return pl.pallas_call(
        _proj_body,
        grid=grid,
        in_specs=[
            pl.BlockSpec((rows_blk, MDIM), lambda i: (i, 0)),
            pl.BlockSpec((MDIM, PACK * MDIM), lambda i: (0, 0)),
        ],
        out_specs=pl.BlockSpec((BBLK * SEQ, MDIM), lambda i: (i, 0)),
        out_shape=jax.ShapeDtypeStruct((TOTAL, MDIM), jnp.float32),
    )(h_packed, p4)


def kernel(token_ids, emb_weight, proj_weight, scale):
    tok = token_ids.reshape(-1).astype(jnp.int32)
    prev = jnp.concatenate([tok[:1], tok[:-1]])

    idx = _HASH(tok, prev)
    emb_rm = _pack_table(emb_weight.T).reshape(PROWS * PACK, EDIM)
    h = _GATHER(idx, emb_rm)
    h_packed = h.reshape(TOTAL // PACK, MDIM)

    pt = proj_weight.T * scale
    p4 = jnp.zeros((MDIM, PACK * MDIM), jnp.float32)
    for c in range(PACK):
        p4 = p4.at[c * EDIM:(c + 1) * EDIM, c * MDIM:(c + 1) * MDIM].set(pt)

    return _project(h_packed, p4).reshape(B, SEQ, MDIM)

# --- scband reference (transcript-rebuilt; emitter-appended) ---
"""Pipeline reference for scband-bigram-hash-embedding-54975581389130 (READ-ONLY COPY).

The authoritative reference and input builder live on the scoring server;
editing this copy changes nothing except your own understanding.
"""

import jax, jax.numpy as jnp
import numpy as np

N_BUCKETS = 1000000
EDIM = 32
MODEL_DIM = 128


def hash_ids(toks, mod):
    # faithful port of BigramHashEmbedding.hash_ids with int32 wraparound semantics
    t = toks.astype(jnp.int32)
    m = jnp.int32(mod - 1)
    a = jnp.int32(36313) * t[..., 1:]
    b = jnp.int32(27191) * t[..., :-1]
    rest = jnp.mod(jnp.bitwise_xor(a, b), m)
    first = jnp.full(t.shape[:-1] + (1,), m, dtype=jnp.int32)
    return jnp.concatenate([first, rest], axis=-1)


def setup_inputs(seed: int = 0) -> dict:
    key = jax.random.key(seed)
    k1, k2, k3 = jax.random.split(key, 3)
    token_ids = jax.random.randint(k1, (4096, 200), 0, 100000, dtype=jnp.int32)
    # learned params (torch init is zeros; use small random values so the
    # computation is numerically non-trivial)
    emb_weight = jax.random.normal(k2, (N_BUCKETS, EDIM), dtype=jnp.float32) * 0.02
    proj_weight = jax.random.normal(k3, (MODEL_DIM, EDIM), dtype=jnp.float32) * 0.02
    scale = jnp.float32(0.05)
    return {"token_ids": token_ids, "emb_weight": emb_weight, "proj_weight": proj_weight, "scale": scale}


def reference(token_ids, emb_weight, proj_weight, scale):
    idx = hash_ids(token_ids, N_BUCKETS)
    h = jnp.take(emb_weight, idx, axis=0)  # embedding lookup -> [B, L, EDIM]
    h = h @ proj_weight.T                   # Linear(edim, model_dim, bias=False)
    return h * scale

if __name__ == "__main__":
    import jax
    _d = setup_inputs()
    print(jax.jit(kernel)(*tuple(_d.values())))

</pallas_src>

<mosaic_0001>
#map = affine_map<(d0, d1) -> (0)>
module attributes {stable_mosaic.version = 14 : i64} {
  func.func @body(%arg0: i32, %arg1: i32, %arg2: memref<819200xi32, #tpu.memory_space<hbm>>, %arg3: memref<819200xi32, #tpu.memory_space<hbm>>, %arg4: memref<819200xi32, #tpu.memory_space<hbm>>, %arg5: memref<25600xi32, #tpu.memory_space<vmem>>, %arg6: memref<25600xi32, #tpu.memory_space<vmem>>, %arg7: memref<25600xi32, #tpu.memory_space<vmem>>) attributes {dimension_semantics = [#tpu.dimension_semantics<core_parallel>, #tpu.dimension_semantics<subcore_parallel>], iteration_bounds = array<i64: 2, 16>, scalar_prefetch = 0 : i64, scratch_operands = 3 : i64, tpu.core_type = #tpu.core_type<sc_vector_subcore>, window_params = [{transform_indices = #map}, {transform_indices = #map}, {transform_indices = #map}]} {
    %mul3A = arith.constant 2 : i32
    %mul3A_0 = arith.muli %arg1, %mul3A : i32
    %add3A = arith.addi %mul3A_0, %arg0 : i32
    %mul3A_1 = arith.constant 25600 : i32
    %mul3A_2 = arith.muli %add3A, %mul3A_1 : i32
    "tpu.region"() ({
      %run_scoped3A = tpu.sem_alloc : memref<!tpu.dma_semaphore, #tpu.memory_space<semaphore_mem>>
      %dma_start3A = tpu.memref_slice %arg2[%mul3A_2] : memref<819200xi32, #tpu.memory_space<hbm>> -> memref<25600xi32, #tpu.memory_space<hbm>>
      %dma_start3A_8 = tpu.memref_slice %arg2[%mul3A_2] : memref<819200xi32, #tpu.memory_space<hbm>> -> memref<25600xi32, #tpu.memory_space<hbm>>
      tpu.enqueue_dma source(%dma_start3A_8 : memref<25600xi32, #tpu.memory_space<hbm>>) target(%arg5 : memref<25600xi32, #tpu.memory_space<vmem>>) target_semaphore(%run_scoped3A : memref<!tpu.dma_semaphore, #tpu.memory_space<semaphore_mem>>)
      %dma_wait3A = tpu.memref_slice %arg2[%mul3A_2] : memref<819200xi32, #tpu.memory_space<hbm>> -> memref<25600xi32, #tpu.memory_space<hbm>>
      %dma_wait3A_9 = tpu.memref_slice %arg2[%mul3A_2] : memref<819200xi32, #tpu.memory_space<hbm>> -> memref<25600xi32, #tpu.memory_space<hbm>>
      tpu.wait_dma2 semaphore(%run_scoped3A : memref<!tpu.dma_semaphore, #tpu.memory_space<semaphore_mem>>) src(%dma_wait3A_9 : memref<25600xi32, #tpu.memory_space<hbm>>) dst(%arg5 : memref<25600xi32, #tpu.memory_space<vmem>>)
      tpu.yield
    }) : () -> ()
    "tpu.region"() ({
      %run_scoped3A = tpu.sem_alloc : memref<!tpu.dma_semaphore, #tpu.memory_space<semaphore_mem>>
      %dma_start3A = tpu.memref_slice %arg3[%mul3A_2] : memref<819200xi32, #tpu.memory_space<hbm>> -> memref<25600xi32, #tpu.memory_space<hbm>>
      %dma_start3A_8 = tpu.memref_slice %arg3[%mul3A_2] : memref<819200xi32, #tpu.memory_space<hbm>> -> memref<25600xi32, #tpu.memory_space<hbm>>
      tpu.enqueue_dma source(%dma_start3A_8 : memref<25600xi32, #tpu.memory_space<hbm>>) target(%arg6 : memref<25600xi32, #tpu.memory_space<vmem>>) target_semaphore(%run_scoped3A : memref<!tpu.dma_semaphore, #tpu.memory_space<semaphore_mem>>)
      %dma_wait3A = tpu.memref_slice %arg3[%mul3A_2] : memref<819200xi32, #tpu.memory_space<hbm>> -> memref<25600xi32, #tpu.memory_space<hbm>>
      %dma_wait3A_9 = tpu.memref_slice %arg3[%mul3A_2] : memref<819200xi32, #tpu.memory_space<hbm>> -> memref<25600xi32, #tpu.memory_space<hbm>>
      tpu.wait_dma2 semaphore(%run_scoped3A : memref<!tpu.dma_semaphore, #tpu.memory_space<semaphore_mem>>) src(%dma_wait3A_9 : memref<25600xi32, #tpu.memory_space<hbm>>) dst(%arg6 : memref<25600xi32, #tpu.memory_space<vmem>>)
      tpu.yield
    }) : () -> ()
    %scan3A = arith.constant 0 : i32
    %scan3A_3 = arith.constant 0 : i32
    %scan3A_4 = arith.constant 1600 : i32
    %scan3A_5 = arith.addi %scan3A_3, %scan3A_4 : i32
    %scan3A_6 = arith.constant 1 : i32
    scf.for %scan3A_8 = %scan3A_3 to %scan3A_5 step %scan3A_6  : i32 {
      %mul3A_9 = arith.constant 16 : i32
      %mul3A_10 = arith.muli %scan3A_8, %mul3A_9 : i32
      %get3A = arith.index_cast %mul3A_10 : i32 to index
      %get3A_11 = tpu.vector_load %arg5[%get3A] {strides = array<i32>} : memref<25600xi32, #tpu.memory_space<vmem>>, vector<16xi32>,
      %get3A_12 = vector.shape_cast %get3A_11 : vector<16xi32> to vector<16xi32>
      %get3A_13 = arith.index_cast %mul3A_10 : i32 to index
      %get3A_14 = tpu.vector_load %arg6[%get3A_13] {strides = array<i32>} : memref<25600xi32, #tpu.memory_space<vmem>>, vector<16xi32>,
      %get3A_15 = vector.shape_cast %get3A_14 : vector<16xi32> to vector<16xi32>
      %mul3A_16 = arith.constant 36313 : i32
      %mul3A_17 = vector.broadcast %mul3A_16 : i32 to vector<16xi32>
      %mul3A_18 = arith.muli %get3A_12, %mul3A_17 : vector<16xi32>
      %mul3A_19 = arith.constant 27191 : i32
      %mul3A_20 = vector.broadcast %mul3A_19 : i32 to vector<16xi32>
      %mul3A_21 = arith.muli %get3A_15, %mul3A_20 : vector<16xi32>
      %xor3A = arith.xori %mul3A_18, %mul3A_21 : vector<16xi32>
      %rem3A = arith.constant 999999 : i32
      %rem3A_22 = vector.broadcast %rem3A : i32 to vector<16xi32>
      %rem3A_23 = arith.remsi %xor3A, %rem3A_22 : vector<16xi32>
      %lt3A = arith.constant 0 : i32
      %lt3A_24 = vector.broadcast %lt3A : i32 to vector<16xi32>
      %lt3A_25 = arith.cmpi slt, %rem3A_23, %lt3A_24 : vector<16xi32>
      %add3A_26 = arith.constant 999999 : i32
      %add3A_27 = vector.broadcast %add3A_26 : i32 to vector<16xi32>
      %add3A_28 = arith.addi %rem3A_23, %add3A_27 : vector<16xi32>
      %select_n3A = arith.select %lt3A_25, %add3A_28, %rem3A_23 : vector<16xi1>, vector<16xi32>
      %add3A_29 = arith.addi %mul3A_2, %mul3A_10 : i32
      %iota3A = tpu.iota {dimensions = array<i32: 0>} : vector<16xi32>
      %add3A_30 = vector.broadcast %add3A_29 : i32 to vector<16xi32>
      %add3A_31 = arith.addi %add3A_30, %iota3A : vector<16xi32>
      %rem3A_32 = arith.constant 200 : i32
      %rem3A_33 = vector.broadcast %rem3A_32 : i32 to vector<16xi32>
      %rem3A_34 = arith.remsi %add3A_31, %rem3A_33 : vector<16xi32>
      %eq3A = arith.constant 0 : i32
      %eq3A_35 = vector.broadcast %eq3A : i32 to vector<16xi32>
      %eq3A_36 = arith.cmpi eq, %rem3A_34, %eq3A_35 : vector<16xi32>
      %jit3A = arith.constant 999999 : i32
      %broadcast_in_dim3A = vector.broadcast %jit3A : i32 to vector<16xi32>
      %select_n3A_37 = arith.select %eq3A_36, %broadcast_in_dim3A, %select_n3A : vector<16xi1>, vector<16xi32>
      %and3A = arith.constant 32767 : i32
      %and3A_38 = vector.broadcast %and3A : i32 to vector<16xi32>
      %and3A_39 = arith.andi %select_n3A_37, %and3A_38 : vector<16xi32>
      %sub3A = arith.subi %select_n3A_37, %and3A_39 : vector<16xi32>
      %and3A_40 = arith.constant 8191 : i32
      %and3A_41 = vector.broadcast %and3A_40 : i32 to vector<16xi32>
      %and3A_42 = arith.andi %and3A_39, %and3A_41 : vector<16xi32>
      %shift_left3A = arith.constant 2 : i32
      %shift_left3A_43 = vector.broadcast %shift_left3A : i32 to vector<16xi32>
      %shift_left3A_44 = arith.shli %and3A_42, %shift_left3A_43 : vector<16xi32>
      %add3A_45 = arith.addi %sub3A, %shift_left3A_44 : vector<16xi32>
      %shift_right_logical3A = arith.constant 13 : i32
      %shift_right_logical3A_46 = vector.broadcast %shift_right_logical3A : i32 to vector<16xi32>
      %shift_right_logical3A_47 = arith.shrui %and3A_39, %shift_right_logical3A_46 : vector<16xi32>
      %add3A_48 = arith.addi %add3A_45, %shift_right_logical3A_47 : vector<16xi32>
      %swap3A = arith.index_cast %mul3A_10 : i32 to index
      %swap3A_49 = tpu.vector_load %arg7[%swap3A] {strides = array<i32>} : memref<25600xi32, #tpu.memory_space<vmem>>, vector<16xi32>,
      %swap3A_50 = vector.shape_cast %swap3A_49 : vector<16xi32> to vector<16xi32>
      %swap3A_51 = vector.shape_cast %add3A_48 : vector<16xi32> to vector<16xi32>
      tpu.vector_store %arg7[%swap3A], %swap3A_51 {strides = array<i32>} : memref<25600xi32, #tpu.memory_space<vmem>>, vector<16xi32>,
    }
    %scan3A_7 = arith.constant 1600 : i32
    "tpu.region"() ({
      %run_scoped3A = tpu.sem_alloc : memref<!tpu.dma_semaphore, #tpu.memory_space<semaphore_mem>>
      %dma_start3A = tpu.memref_slice %arg4[%mul3A_2] : memref<819200xi32, #tpu.memory_space<hbm>> -> memref<25600xi32, #tpu.memory_space<hbm>>
      %dma_start3A_8 = tpu.memref_slice %arg4[%mul3A_2] : memref<819200xi32, #tpu.memory_space<hbm>> -> memref<25600xi32, #tpu.memory_space<hbm>>
      tpu.enqueue_dma source(%arg7 : memref<25600xi32, #tpu.memory_space<vmem>>) target(%dma_start3A_8 : memref<25600xi32, #tpu.memory_space<hbm>>) target_semaphore(%run_scoped3A : memref<!tpu.dma_semaphore, #tpu.memory_space<semaphore_mem>>)
      %dma_wait3A = tpu.memref_slice %arg4[%mul3A_2] : memref<819200xi32, #tpu.memory_space<hbm>> -> memref<25600xi32, #tpu.memory_space<hbm>>
      %dma_wait3A_9 = tpu.memref_slice %arg4[%mul3A_2] : memref<819200xi32, #tpu.memory_space<hbm>> -> memref<25600xi32, #tpu.memory_space<hbm>>
      tpu.wait_dma2 semaphore(%run_scoped3A : memref<!tpu.dma_semaphore, #tpu.memory_space<semaphore_mem>>) src(%arg7 : memref<25600xi32, #tpu.memory_space<vmem>>) dst(%dma_wait3A_9 : memref<25600xi32, #tpu.memory_space<hbm>>)
      tpu.yield
    }) : () -> ()
    return
  }
}

#map = affine_map<(d0, d1) -> (0)>
#map1 = affine_map<(d0, d1) -> (0, 0)>
module attributes {stable_mosaic.version = 14 : i64} {
  func.func @body(%arg0: i32, %arg1: i32, %arg2: memref<819200xi32, #tpu.memory_space<hbm>>, %arg3: memref<1015808x32xf32, #tpu.memory_space<hbm>>, %arg4: memref<819200x32xf32, #tpu.memory_space<hbm>>, %arg5: memref<25600xi32, #tpu.memory_space<vmem>>, %arg6: memref<2x1280x32xf32, #tpu.memory_space<vmem>>, %arg7: memref<2x!tpu.dma_semaphore, #tpu.memory_space<semaphore_mem>>, %arg8: memref<2x!tpu.dma_semaphore, #tpu.memory_space<semaphore_mem>>) attributes {dimension_semantics = [#tpu.dimension_semantics<core_parallel>, #tpu.dimension_semantics<subcore_parallel>], iteration_bounds = array<i64: 2, 16>, scalar_prefetch = 0 : i64, scratch_operands = 4 : i64, tpu.core_type = #tpu.core_type<sc_vector_subcore>, window_params = [{transform_indices = #map}, {transform_indices = #map1}, {transform_indices = #map1}]} {
    %mul3A = arith.constant 2 : i32
    %mul3A_0 = arith.muli %arg1, %mul3A : i32
    %add3A = arith.addi %mul3A_0, %arg0 : i32
    %mul3A_1 = arith.constant 25600 : i32
    %mul3A_2 = arith.muli %add3A, %mul3A_1 : i32
    "tpu.region"() ({
      %run_scoped3A = tpu.sem_alloc : memref<!tpu.dma_semaphore, #tpu.memory_space<semaphore_mem>>
      %dma_start3A_172 = tpu.memref_slice %arg2[%mul3A_2] : memref<819200xi32, #tpu.memory_space<hbm>> -> memref<25600xi32, #tpu.memory_space<hbm>>
      %dma_start3A_173 = tpu.memref_slice %arg2[%mul3A_2] : memref<819200xi32, #tpu.memory_space<hbm>> -> memref<25600xi32, #tpu.memory_space<hbm>>
      tpu.enqueue_dma source(%dma_start3A_173 : memref<25600xi32, #tpu.memory_space<hbm>>) target(%arg5 : memref<25600xi32, #tpu.memory_space<vmem>>) target_semaphore(%run_scoped3A : memref<!tpu.dma_semaphore, #tpu.memory_space<semaphore_mem>>)
      %dma_wait3A_174 = tpu.memref_slice %arg2[%mul3A_2] : memref<819200xi32, #tpu.memory_space<hbm>> -> memref<25600xi32, #tpu.memory_space<hbm>>
      %dma_wait3A_175 = tpu.memref_slice %arg2[%mul3A_2] : memref<819200xi32, #tpu.memory_space<hbm>> -> memref<25600xi32, #tpu.memory_space<hbm>>
      tpu.wait_dma2 semaphore(%run_scoped3A : memref<!tpu.dma_semaphore, #tpu.memory_space<semaphore_mem>>) src(%dma_wait3A_175 : memref<25600xi32, #tpu.memory_space<hbm>>) dst(%arg5 : memref<25600xi32, #tpu.memory_space<vmem>>)
      tpu.yield
    }) : () -> ()
    %dma_start3A = arith.constant 0 : i32
    %dma_start3A_3 = arith.constant 0 : i32
    %dma_start3A_4 = arith.constant 0 : i32
    %dma_start3A_5 = arith.constant 0 : i32
    %dma_start3A_6 = tpu.memref_slice %arg6[%dma_start3A, %dma_start3A_4, %dma_start3A_5] : memref<2x1280x32xf32, #tpu.memory_space<vmem>> -> memref<1x128x32xf32, #tpu.memory_space<vmem>>
    %dma_start3A_7 = tpu.memref_squeeze %dma_start3A_6 : memref<1x128x32xf32, #tpu.memory_space<vmem>> -> memref<128x32xf32, #tpu.memory_space<vmem>>
    %dma_start3A_8 = arith.constant 0 : i32
    %dma_start3A_9 = tpu.memref_slice %arg5[%dma_start3A_8] : memref<25600xi32, #tpu.memory_space<vmem>> -> memref<128xi32, #tpu.memory_space<vmem>>
    %dma_start3A_10 = arith.constant 0 : i32
    %dma_start3A_11 = arith.constant 0 : i32
    %dma_start3A_12 = tpu.memref_slice %arg3[%dma_start3A_10, %dma_start3A_11] : memref<1015808x32xf32, #tpu.memory_space<hbm>> -> memref<1015808x32xf32, #tpu.memory_space<hbm>>
    %dma_start3A_13 = tpu.memref_slice %arg7[%dma_start3A_3] : memref<2x!tpu.dma_semaphore, #tpu.memory_space<semaphore_mem>> -> memref<1x!tpu.dma_semaphore, #tpu.memory_space<semaphore_mem>>
    %dma_start3A_14 = tpu.memref_squeeze %dma_start3A_13 : memref<1x!tpu.dma_semaphore, #tpu.memory_space<semaphore_mem>> -> memref<!tpu.dma_semaphore, #tpu.memory_space<semaphore_mem>>
    tpu.enqueue_indirect_dma source(%dma_start3A_12 : memref<1015808x32xf32, #tpu.memory_space<hbm>>) target(%dma_start3A_7 : memref<128x32xf32, #tpu.memory_space<vmem>>) offsets(%dma_start3A_9 : memref<128xi32, #tpu.memory_space<vmem>>) semaphore(%dma_start3A_14 : memref<!tpu.dma_semaphore, #tpu.memory_space<semaphore_mem>>)
    %dma_start3A_15 = arith.constant 0 : i32
    %dma_start3A_16 = arith.constant 0 : i32
    %dma_start3A_17 = arith.constant 128 : i32
    %dma_start3A_18 = arith.constant 0 : i32
    %dma_start3A_19 = tpu.memref_slice %arg6[%dma_start3A_15, %dma_start3A_17, %dma_start3A_18] : memref<2x1280x32xf32, #tpu.memory_space<vmem>> -> memref<1x128x32xf32, #tpu.memory_space<vmem>>
    %dma_start3A_20 = tpu.memref_squeeze %dma_start3A_19 : memref<1x128x32xf32, #tpu.memory_space<vmem>> -> memref<128x32xf32, #tpu.memory_space<vmem>>
    %dma_start3A_21 = arith.constant 128 : i32
    %dma_start3A_22 = tpu.memref_slice %arg5[%dma_start3A_21] : memref<25600xi32, #tpu.memory_space<vmem>> -> memref<128xi32, #tpu.memory_space<vmem>>
    %dma_start3A_23 = arith.constant 0 : i32
    %dma_start3A_24 = arith.constant 0 : i32
    %dma_start3A_25 = tpu.memref_slice %arg3[%dma_start3A_23, %dma_start3A_24] : memref<1015808x32xf32, #tpu.memory_space<hbm>> -> memref<1015808x32xf32, #tpu.memory_space<hbm>>
    %dma_start3A_26 = tpu.memref_slice %arg7[%dma_start3A_16] : memref<2x!tpu.dma_semaphore, #tpu.memory_space<semaphore_mem>> -> memref<1x!tpu.dma_semaphore, #tpu.memory_space<semaphore_mem>>
    %dma_start3A_27 = tpu.memref_squeeze %dma_start3A_26 : memref<1x!tpu.dma_semaphore, #tpu.memory_space<semaphore_mem>> -> memref<!tpu.dma_semaphore, #tpu.memory_space<semaphore_mem>>
    tpu.enqueue_indirect_dma source(%dma_start3A_25 : memref<1015808x32xf32, #tpu.memory_space<hbm>>) target(%dma_start3A_20 : memref<128x32xf32, #tpu.memory_space<vmem>>) offsets(%dma_start3A_22 : memref<128xi32, #tpu.memory_space<vmem>>) semaphore(%dma_start3A_27 : memref<!tpu.dma_semaphore, #tpu.memory_space<semaphore_mem>>)
    %dma_start3A_28 = arith.constant 0 : i32
    %dma_start3A_29 = arith.constant 0 : i32
    %dma_start3A_30 = arith.constant 256 : i32
    %dma_start3A_31 = arith.constant 0 : i32
    %dma_start3A_32 = tpu.memref_slice %arg6[%dma_start3A_28, %dma_start3A_30, %dma_start3A_31] : memref<2x1280x32xf32, #tpu.memory_space<vmem>> -> memref<1x128x32xf32, #tpu.memory_space<vmem>>
    %dma_start3A_33 = tpu.memref_squeeze %dma_start3A_32 : memref<1x128x32xf32, #tpu.memory_space<vmem>> -> memref<128x32xf32, #tpu.memory_space<vmem>>
    %dma_start3A_34 = arith.constant 256 : i32
    %dma_start3A_35 = tpu.memref_slice %arg5[%dma_start3A_34] : memref<25600xi32, #tpu.memory_space<vmem>> -> memref<128xi32, #tpu.memory_space<vmem>>
    %dma_start3A_36 = arith.constant 0 : i32
    %dma_start3A_37 = arith.constant 0 : i32
    %dma_start3A_38 = tpu.memref_slice %arg3[%dma_start3A_36, %dma_start3A_37] : memref<1015808x32xf32, #tpu.memory_space<hbm>> -> memref<1015808x32xf32, #tpu.memory_space<hbm>>
    %dma_start3A_39 = tpu.memref_slice %arg7[%dma_start3A_29] : memref<2x!tpu.dma_semaphore, #tpu.memory_space<semaphore_mem>> -> memref<1x!tpu.dma_semaphore, #tpu.memory_space<semaphore_mem>>
    %dma_start3A_40 = tpu.memref_squeeze %dma_start3A_39 : memref<1x!tpu.dma_semaphore, #tpu.memory_space<semaphore_mem>> -> memref<!tpu.dma_semaphore, #tpu.memory_space<semaphore_mem>>
    tpu.enqueue_indirect_dma source(%dma_start3A_38 : memref<1015808x32xf32, #tpu.memory_space<hbm>>) target(%dma_start3A_33 : memref<128x32xf32, #tpu.memory_space<vmem>>) offsets(%dma_start3A_35 : memref<128xi32, #tpu.memory_space<vmem>>) semaphore(%dma_start3A_40 : memref<!tpu.dma_semaphore, #tpu.memory_space<semaphore_mem>>)
    %dma_start3A_41 = arith.constant 0 : i32
    %dma_start3A_42 = arith.constant 0 : i32
    %dma_start3A_43 = arith.constant 384 : i32
    %dma_start3A_44 = arith.constant 0 : i32
    %dma_start3A_45 = tpu.memref_slice %arg6[%dma_start3A_41, %dma_start3A_43, %dma_start3A_44] : memref<2x1280x32xf32, #tpu.memory_space<vmem>> -> memref<1x128x32xf32, #tpu.memory_space<vmem>>
    %dma_start3A_46 = tpu.memref_squeeze %dma_start3A_45 : memref<1x128x32xf32, #tpu.memory_space<vmem>> -> memref<128x32xf32, #tpu.memory_space<vmem>>
    %dma_start3A_47 = arith.constant 384 : i32
    %dma_start3A_48 = tpu.memref_slice %arg5[%dma_start3A_47] : memref<25600xi32, #tpu.memory_space<vmem>> -> memref<128xi32, #tpu.memory_space<vmem>>
    %dma_start3A_49 = arith.constant 0 : i32
    %dma_start3A_50 = arith.constant 0 : i32
    %dma_start3A_51 = tpu.memref_slice %arg3[%dma_start3A_49, %dma_start3A_50] : memref<1015808x32xf32, #tpu.memory_space<hbm>> -> memref<1015808x32xf32, #tpu.memory_space<hbm>>
    %dma_start3A_52 = tpu.memref_slice %arg7[%dma_start3A_42] : memref<2x!tpu.dma_semaphore, #tpu.memory_space<semaphore_mem>> -> memref<1x!tpu.dma_semaphore, #tpu.memory_space<semaphore_mem>>
    %dma_start3A_53 = tpu.memref_squeeze %dma_start3A_52 : memref<1x!tpu.dma_semaphore, #tpu.memory_space<semaphore_mem>> -> memref<!tpu.dma_semaphore, #tpu.memory_space<semaphore_mem>>
    tpu.enqueue_indirect_dma source(%dma_start3A_51 : memref<1015808x32xf32, #tpu.memory_space<hbm>>) target(%dma_start3A_46 : memref<128x32xf32, #tpu.memory_space<vmem>>) offsets(%dma_start3A_48 : memref<128xi32, #tpu.memory_space<vmem>>) semaphore(%dma_start3A_53 : memref<!tpu.dma_semaphore, #tpu.memory_space<semaphore_mem>>)
    %dma_start3A_54 = arith.constant 0 : i32
    %dma_start3A_55 = arith.constant 0 : i32
    %dma_start3A_56 = arith.constant 512 : i32
    %dma_start3A_57 = arith.constant 0 : i32
    %dma_start3A_58 = tpu.memref_slice %arg6[%dma_start3A_54, %dma_start3A_56, %dma_start3A_57] : memref<2x1280x32xf32, #tpu.memory_space<vmem>> -> memref<1x128x32xf32, #tpu.memory_space<vmem>>
    %dma_start3A_59 = tpu.memref_squeeze %dma_start3A_58 : memref<1x128x32xf32, #tpu.memory_space<vmem>> -> memref<128x32xf32, #tpu.memory_space<vmem>>
    %dma_start3A_60 = arith.constant 512 : i32
    %dma_start3A_61 = tpu.memref_slice %arg5[%dma_start3A_60] : memref<25600xi32, #tpu.memory_space<vmem>> -> memref<128xi32, #tpu.memory_space<vmem>>
    %dma_start3A_62 = arith.constant 0 : i32
    %dma_start3A_63 = arith.constant 0 : i32
    %dma_start3A_64 = tpu.memref_slice %arg3[%dma_start3A_62, %dma_start3A_63] : memref<1015808x32xf32, #tpu.memory_space<hbm>> -> memref<1015808x32xf32, #tpu.memory_space<hbm>>
    %dma_start3A_65 = tpu.memref_slice %arg7[%dma_start3A_55] : memref<2x!tpu.dma_semaphore, #tpu.memory_space<semaphore_mem>> -> memref<1x!tpu.dma_semaphore, #tpu.memory_space<semaphore_mem>>
    %dma_start3A_66 = tpu.memref_squeeze %dma_start3A_65 : memref<1x!tpu.dma_semaphore, #tpu.memory_space<semaphore_mem>> -> memref<!tpu.dma_semaphore, #tpu.memory_space<semaphore_mem>>
    tpu.enqueue_indirect_dma source(%dma_start3A_64 : memref<1015808x32xf32, #tpu.memory_space<hbm>>) target(%dma_start3A_59 : memref<128x32xf32, #tpu.memory_space<vmem>>) offsets(%dma_start3A_61 : memref<128xi32, #tpu.memory_space<vmem>>) semaphore(%dma_start3A_66 : memref<!tpu.dma_semaphore, #tpu.memory_space<semaphore_mem>>)
    %dma_start3A_67 = arith.constant 0 : i32
    %dma_start3A_68 = arith.constant 0 : i32
    %dma_start3A_69 = arith.constant 640 : i32
    %dma_start3A_70 = arith.constant 0 : i32
    %dma_start3A_71 = tpu.memref_slice %arg6[%dma_start3A_67, %dma_start3A_69, %dma_start3A_70] : memref<2x1280x32xf32, #tpu.memory_space<vmem>> -> memref<1x128x32xf32, #tpu.memory_space<vmem>>
    %dma_start3A_72 = tpu.memref_squeeze %dma_start3A_71 : memref<1x128x32xf32, #tpu.memory_space<vmem>> -> memref<128x32xf32, #tpu.memory_space<vmem>>
    %dma_start3A_73 = arith.constant 640 : i32
    %dma_start3A_74 = tpu.memref_slice %arg5[%dma_start3A_73] : memref<25600xi32, #tpu.memory_space<vmem>> -> memref<128xi32, #tpu.memory_space<vmem>>
    %dma_start3A_75 = arith.constant 0 : i32
    %dma_start3A_76 = arith.constant 0 : i32
    %dma_start3A_77 = tpu.memref_slice %arg3[%dma_start3A_75, %dma_start3A_76] : memref<1015808x32xf32, #tpu.memory_space<hbm>> -> memref<1015808x32xf32, #tpu.memory_space<hbm>>
    %dma_start3A_78 = tpu.memref_slice %arg7[%dma_start3A_68] : memref<2x!tpu.dma_semaphore, #tpu.memory_space<semaphore_mem>> -> memref<1x!tpu.dma_semaphore, #tpu.memory_space<semaphore_mem>>
    %dma_start3A_79 = tpu.memref_squeeze %dma_start3A_78 : memref<1x!tpu.dma_semaphore, #tpu.memory_space<semaphore_mem>> -> memref<!tpu.dma_semaphore, #tpu.memory_space<semaphore_mem>>
    tpu.enqueue_indirect_dma source(%dma_start3A_77 : memref<1015808x32xf32, #tpu.memory_space<hbm>>) target(%dma_start3A_72 : memref<128x32xf32, #tpu.memory_space<vmem>>) offsets(%dma_start3A_74 : memref<128xi32, #tpu.memory_space<vmem>>) semaphore(%dma_start3A_79 : memref<!tpu.dma_semaphore, #tpu.memory_space<semaphore_mem>>)
    %dma_start3A_80 = arith.constant 0 : i32
    %dma_start3A_81 = arith.constant 0 : i32
    %dma_start3A_82 = arith.constant 768 : i32
    %dma_start3A_83 = arith.constant 0 : i32
    %dma_start3A_84 = tpu.memref_slice %arg6[%dma_start3A_80, %dma_start3A_82, %dma_start3A_83] : memref<2x1280x32xf32, #tpu.memory_space<vmem>> -> memref<1x128x32xf32, #tpu.memory_space<vmem>>
    %dma_start3A_85 = tpu.memref_squeeze %dma_start3A_84 : memref<1x128x32xf32, #tpu.memory_space<vmem>> -> memref<128x32xf32, #tpu.memory_space<vmem>>
    %dma_start3A_86 = arith.constant 768 : i32
    %dma_start3A_87 = tpu.memref_slice %arg5[%dma_start3A_86] : memref<25600xi32, #tpu.memory_space<vmem>> -> memref<128xi32, #tpu.memory_space<vmem>>
    %dma_start3A_88 = arith.constant 0 : i32
    %dma_start3A_89 = arith.constant 0 : i32
    %dma_start3A_90 = tpu.memref_slice %arg3[%dma_start3A_88, %dma_start3A_89] : memref<1015808x32xf32, #tpu.memory_space<hbm>> -> memref<1015808x32xf32, #tpu.memory_space<hbm>>
    %dma_start3A_91 = tpu.memref_slice %arg7[%dma_start3A_81] : memref<2x!tpu.dma_semaphore, #tpu.memory_space<semaphore_mem>> -> memref<1x!tpu.dma_semaphore, #tpu.memory_space<semaphore_mem>>
    %dma_start3A_92 = tpu.memref_squeeze %dma_start3A_91 : memref<1x!tpu.dma_semaphore, #tpu.memory_space<semaphore_mem>> -> memref<!tpu.dma_semaphore, #tpu.memory_space<semaphore_mem>>
    tpu.enqueue_indirect_dma source(%dma_start3A_90 : memref<1015808x32xf32, #tpu.memory_space<hbm>>) target(%dma_start3A_85 : memref<128x32xf32, #tpu.memory_space<vmem>>) offsets(%dma_start3A_87 : memref<128xi32, #tpu.memory_space<vmem>>) semaphore(%dma_start3A_92 : memref<!tpu.dma_semaphore, #tpu.memory_space<semaphore_mem>>)
    %dma_start3A_93 = arith.constant 0 : i32
    %dma_start3A_94 = arith.constant 0 : i32
    %dma_start3A_95 = arith.constant 896 : i32
    %dma_start3A_96 = arith.constant 0 : i32
    %dma_start3A_97 = tpu.memref_slice %arg6[%dma_start3A_93, %dma_start3A_95, %dma_start3A_96] : memref<2x1280x32xf32, #tpu.memory_space<vmem>> -> memref<1x128x32xf32, #tpu.memory_space<vmem>>
    %dma_start3A_98 = tpu.memref_squeeze %dma_start3A_97 : memref<1x128x32xf32, #tpu.memory_space<vmem>> -> memref<128x32xf32, #tpu.memory_space<vmem>>
    %dma_start3A_99 = arith.constant 896 : i32
    %dma_start3A_100 = tpu.memref_slice %arg5[%dma_start3A_99] : memref<25600xi32, #tpu.memory_space<vmem>> -> memref<128xi32, #tpu.memory_space<vmem>>
    %dma_start3A_101 = arith.constant 0 : i32
    %dma_start3A_102 = arith.constant 0 : i32
    %dma_start3A_103 = tpu.memref_slice %arg3[%dma_start3A_101, %dma_start3A_102] : memref<1015808x32xf32, #tpu.memory_space<hbm>> -> memref<1015808x32xf32, #tpu.memory_space<hbm>>
    %dma_start3A_104 = tpu.memref_slice %arg7[%dma_start3A_94] : memref<2x!tpu.dma_semaphore, #tpu.memory_space<semaphore_mem>> -> memref<1x!tpu.dma_semaphore, #tpu.memory_space<semaphore_mem>>
    %dma_start3A_105 = tpu.memref_squeeze %dma_start3A_104 : memref<1x!tpu.dma_semaphore, #tpu.memory_space<semaphore_mem>> -> memref<!tpu.dma_semaphore, #tpu.memory_space<semaphore_mem>>
    tpu.enqueue_indirect_dma source(%dma_start3A_103 : memref<1015808x32xf32, #tpu.memory_space<hbm>>) target(%dma_start3A_98 : memref<128x32xf32, #tpu.memory_space<vmem>>) offsets(%dma_start3A_100 : memref<128xi32, #tpu.memory_space<vmem>>) semaphore(%dma_start3A_105 : memref<!tpu.dma_semaphore, #tpu.memory_space<semaphore_mem>>)
    %dma_start3A_106 = arith.constant 0 : i32
    %dma_start3A_107 = arith.constant 0 : i32
    %dma_start3A_108 = arith.constant 1024 : i32
    %dma_start3A_109 = arith.constant 0 : i32
    %dma_start3A_110 = tpu.memref_slice %arg6[%dma_start3A_106, %dma_start3A_108, %dma_start3A_109] : memref<2x1280x32xf32, #tpu.memory_space<vmem>> -> memref<1x128x32xf32, #tpu.memory_space<vmem>>
    %dma_start3A_111 = tpu.memref_squeeze %dma_start3A_110 : memref<1x128x32xf32, #tpu.memory_space<vmem>> -> memref<128x32xf32, #tpu.memory_space<vmem>>
    %dma_start3A_112 = arith.constant 1024 : i32
    %dma_start3A_113 = tpu.memref_slice %arg5[%dma_start3A_112] : memref<25600xi32, #tpu.memory_space<vmem>> -> memref<128xi32, #tpu.memory_space<vmem>>
    %dma_start3A_114 = arith.constant 0 : i32
    %dma_start3A_115 = arith.constant 0 : i32
    %dma_start3A_116 = tpu.memref_slice %arg3[%dma_start3A_114, %dma_start3A_115] : memref<1015808x32xf32, #tpu.memory_space<hbm>> -> memref<1015808x32xf32, #tpu.memory_space<hbm>>
    %dma_start3A_117 = tpu.memref_slice %arg7[%dma_start3A_107] : memref<2x!tpu.dma_semaphore, #tpu.memory_space<semaphore_mem>> -> memref<1x!tpu.dma_semaphore, #tpu.memory_space<semaphore_mem>>
    %dma_start3A_118 = tpu.memref_squeeze %dma_start3A_117 : memref<1x!tpu.dma_semaphore, #tpu.memory_space<semaphore_mem>> -> memref<!tpu.dma_semaphore, #tpu.memory_space<semaphore_mem>>
    tpu.enqueue_indirect_dma source(%dma_start3A_116 : memref<1015808x32xf32, #tpu.memory_space<hbm>>) target(%dma_start3A_111 : memref<128x32xf32, #tpu.memory_space<vmem>>) offsets(%dma_start3A_113 : memref<128xi32, #tpu.memory_space<vmem>>) semaphore(%dma_start3A_118 : memref<!tpu.dma_semaphore, #tpu.memory_space<semaphore_mem>>)
    %dma_start3A_119 = arith.constant 0 : i32
    %dma_start3A_120 = arith.constant 0 : i32
    %dma_start3A_121 = arith.constant 1152 : i32
    %dma_start3A_122 = arith.constant 0 : i32
    %dma_start3A_123 = tpu.memref_slice %arg6[%dma_start3A_119, %dma_start3A_121, %dma_start3A_122] : memref<2x1280x32xf32, #tpu.memory_space<vmem>> -> memref<1x128x32xf32, #tpu.memory_space<vmem>>
    %dma_start3A_124 = tpu.memref_squeeze %dma_start3A_123 : memref<1x128x32xf32, #tpu.memory_space<vmem>> -> memref<128x32xf32, #tpu.memory_space<vmem>>
    %dma_start3A_125 = arith.constant 1152 : i32
    %dma_start3A_126 = tpu.memref_slice %arg5[%dma_start3A_125] : memref<25600xi32, #tpu.memory_space<vmem>> -> memref<128xi32, #tpu.memory_space<vmem>>
    %dma_start3A_127 = arith.constant 0 : i32
    %dma_start3A_128 = arith.constant 0 : i32
    %dma_start3A_129 = tpu.memref_slice %arg3[%dma_start3A_127, %dma_start3A_128] : memref<1015808x32xf32, #tpu.memory_space<hbm>> -> memref<1015808x32xf32, #tpu.memory_space<hbm>>
    %dma_start3A_130 = tpu.memref_slice %arg7[%dma_start3A_120] : memref<2x!tpu.dma_semaphore, #tpu.memory_space<semaphore_mem>> -> memref<1x!tpu.dma_semaphore, #tpu.memory_space<semaphore_mem>>
    %dma_start3A_131 = tpu.memref_squeeze %dma_start3A_130 : memref<1x!tpu.dma_semaphore, #tpu.memory_space<semaphore_mem>> -> memref<!tpu.dma_semaphore, #tpu.memory_space<semaphore_mem>>
    tpu.enqueue_indirect_dma source(%dma_start3A_129 : memref<1015808x32xf32, #tpu.memory_space<hbm>>) target(%dma_start3A_124 : memref<128x32xf32, #tpu.memory_space<vmem>>) offsets(%dma_start3A_126 : memref<128xi32, #tpu.memory_space<vmem>>) semaphore(%dma_start3A_131 : memref<!tpu.dma_semaphore, #tpu.memory_space<semaphore_mem>>)
    %scan3A = arith.constant 0 : i32
    %scan3A_132 = arith.constant 0 : i32
    %scan3A_133 = arith.constant 20 : i32
    %scan3A_134 = arith.addi %scan3A_132, %scan3A_133 : i32
    %scan3A_135 = arith.constant 1 : i32
    scf.for %scan3A_172 = %scan3A_132 to %scan3A_134 step %scan3A_135  : i32 {
      %rem3A = arith.constant 2 : i32
      %rem3A_173 = arith.remsi %scan3A_172, %rem3A : i32
      %dma_wait3A_174 = arith.constant 0 : i32
      %dma_wait3A_175 = arith.constant 0 : i32
      %dma_wait3A_176 = tpu.memref_slice %arg6[%rem3A_173, %dma_wait3A_174, %dma_wait3A_175] : memref<2x1280x32xf32, #tpu.memory_space<vmem>> -> memref<1x1280x32xf32, #tpu.memory_space<vmem>>
      %dma_wait3A_177 = tpu.memref_squeeze %dma_wait3A_176 : memref<1x1280x32xf32, #tpu.memory_space<vmem>> -> memref<1280x32xf32, #tpu.memory_space<vmem>>
      %dma_wait3A_178 = arith.constant 0 : i32
      %dma_wait3A_179 = arith.constant 0 : i32
      %dma_wait3A_180 = tpu.memref_slice %arg3[%dma_wait3A_178, %dma_wait3A_179] : memref<1015808x32xf32, #tpu.memory_space<hbm>> -> memref<1280x32xf32, #tpu.memory_space<hbm>>
      %dma_wait3A_181 = tpu.memref_slice %arg7[%rem3A_173] : memref<2x!tpu.dma_semaphore, #tpu.memory_space<semaphore_mem>> -> memref<1x!tpu.dma_semaphore, #tpu.memory_space<semaphore_mem>>
      %dma_wait3A_182 = tpu.memref_squeeze %dma_wait3A_181 : memref<1x!tpu.dma_semaphore, #tpu.memory_space<semaphore_mem>> -> memref<!tpu.dma_semaphore, #tpu.memory_space<semaphore_mem>>
      %dma_wait3A_183 = arith.constant 0 : i32
      %dma_wait3A_184 = arith.constant 0 : i32
      %dma_wait3A_185 = tpu.memref_slice %arg6[%rem3A_173, %dma_wait3A_183, %dma_wait3A_184] : memref<2x1280x32xf32, #tpu.memory_space<vmem>> -> memref<1x1280x32xf32, #tpu.memory_space<vmem>>
      %dma_wait3A_186 = tpu.memref_squeeze %dma_wait3A_185 : memref<1x1280x32xf32, #tpu.memory_space<vmem>> -> memref<1280x32xf32, #tpu.memory_space<vmem>>
      %dma_wait3A_187 = arith.constant 0 : i32
      %dma_wait3A_188 = arith.constant 0 : i32
      %dma_wait3A_189 = tpu.memref_slice %arg3[%dma_wait3A_187, %dma_wait3A_188] : memref<1015808x32xf32, #tpu.memory_space<hbm>> -> memref<1280x32xf32, #tpu.memory_space<hbm>>
      tpu.wait_dma2 semaphore(%dma_wait3A_182 : memref<!tpu.dma_semaphore, #tpu.memory_space<semaphore_mem>>) src(%dma_wait3A_189 : memref<1280x32xf32, #tpu.memory_space<hbm>>) dst(%dma_wait3A_186 : memref<1280x32xf32, #tpu.memory_space<vmem>>)
      %add3A_190 = arith.constant 1 : i32
      %add3A_191 = arith.addi %scan3A_172, %add3A_190 : i32
      %lt3A = arith.constant 20 : i32
      %lt3A_192 = arith.cmpi slt, %add3A_191, %lt3A : i32
      %convert_element_type3A = arith.extui %lt3A_192 : i1 to i32
      %cond3A = arith.constant 0 : i32
      %cond3A_193 = arith.cmpi ne, %convert_element_type3A, %cond3A : i32
      scf.if %cond3A_193 {
        %ge3A = arith.constant 1 : i32
        %ge3A_211 = arith.cmpi sge, %scan3A_172, %ge3A : i32
        %convert_element_type3A_212 = arith.extui %ge3A_211 : i1 to i32
        %cond3A_213 = arith.constant 0 : i32
        %cond3A_214 = arith.cmpi ne, %convert_element_type3A_212, %cond3A_213 : i32
        scf.if %cond3A_214 {
          %sub3A_358 = arith.constant 1 : i32
          %sub3A_359 = arith.subi %sub3A_358, %rem3A_173 : i32
          %dma_wait3A_360 = arith.constant 0 : i32
          %dma_wait3A_361 = arith.constant 0 : i32
          %dma_wait3A_362 = tpu.memref_slice %arg6[%sub3A_359, %dma_wait3A_360, %dma_wait3A_361] : memref<2x1280x32xf32, #tpu.memory_space<vmem>> -> memref<1x1280x32xf32, #tpu.memory_space<vmem>>
          %dma_wait3A_363 = tpu.memref_squeeze %dma_wait3A_362 : memref<1x1280x32xf32, #tpu.memory_space<vmem>> -> memref<1280x32xf32, #tpu.memory_space<vmem>>
          %dma_wait3A_364 = arith.constant 0 : i32
          %dma_wait3A_365 = arith.constant 0 : i32
          %dma_wait3A_366 = tpu.memref_slice %arg3[%dma_wait3A_364, %dma_wait3A_365] : memref<1015808x32xf32, #tpu.memory_space<hbm>> -> memref<1280x32xf32, #tpu.memory_space<hbm>>
          %dma_wait3A_367 = tpu.memref_slice %arg8[%sub3A_359] : memref<2x!tpu.dma_semaphore, #tpu.memory_space<semaphore_mem>> -> memref<1x!tpu.dma_semaphore, #tpu.memory_space<semaphore_mem>>
          %dma_wait3A_368 = tpu.memref_squeeze %dma_wait3A_367 : memref<1x!tpu.dma_semaphore, #tpu.memory_space<semaphore_mem>> -> memref<!tpu.dma_semaphore, #tpu.memory_space<semaphore_mem>>
          %dma_wait3A_369 = arith.constant 0 : i32
          %dma_wait3A_370 = arith.constant 0 : i32
          %dma_wait3A_371 = tpu.memref_slice %arg6[%sub3A_359, %dma_wait3A_369, %dma_wait3A_370] : memref<2x1280x32xf32, #tpu.memory_space<vmem>> -> memref<1x1280x32xf32, #tpu.memory_space<vmem>>
          %dma_wait3A_372 = tpu.memref_squeeze %dma_wait3A_371 : memref<1x1280x32xf32, #tpu.memory_space<vmem>> -> memref<1280x32xf32, #tpu.memory_space<vmem>>
          %dma_wait3A_373 = arith.constant 0 : i32
          %dma_wait3A_374 = arith.constant 0 : i32
          %dma_wait3A_375 = tpu.memref_slice %arg3[%dma_wait3A_373, %dma_wait3A_374] : memref<1015808x32xf32, #tpu.memory_space<hbm>> -> memref<1280x32xf32, #tpu.memory_space<hbm>>
          tpu.wait_dma2 semaphore(%dma_wait3A_368 : memref<!tpu.dma_semaphore, #tpu.memory_space<semaphore_mem>>) src(%dma_wait3A_375 : memref<1280x32xf32, #tpu.memory_space<hbm>>) dst(%dma_wait3A_372 : memref<1280x32xf32, #tpu.memory_space<vmem>>)
        } else {
        }
        %add3A_215 = arith.constant 1 : i32
        %add3A_216 = arith.addi %scan3A_172, %add3A_215 : i32
        %sub3A = arith.constant 1 : i32
        %sub3A_217 = arith.subi %sub3A, %rem3A_173 : i32
        %mul3A_218 = arith.constant 1280 : i32
        %mul3A_219 = arith.muli %add3A_216, %mul3A_218 : i32
        %add3A_220 = arith.constant 0 : i32
        %add3A_221 = arith.addi %mul3A_219, %add3A_220 : i32
        %dma_start3A_222 = arith.constant 0 : i32
        %dma_start3A_223 = arith.constant 0 : i32
        %dma_start3A_224 = tpu.memref_slice %arg6[%sub3A_217, %dma_start3A_222, %dma_start3A_223] : memref<2x1280x32xf32, #tpu.memory_space<vmem>> -> memref<1x128x32xf32, #tpu.memory_space<vmem>>
        %dma_start3A_225 = tpu.memref_squeeze %dma_start3A_224 : memref<1x128x32xf32, #tpu.memory_space<vmem>> -> memref<128x32xf32, #tpu.memory_space<vmem>>
        %dma_start3A_226 = tpu.memref_slice %arg5[%add3A_221] : memref<25600xi32, #tpu.memory_space<vmem>> -> memref<128xi32, #tpu.memory_space<vmem>>
        %dma_start3A_227 = arith.constant 0 : i32
        %dma_start3A_228 = arith.constant 0 : i32
        %dma_start3A_229 = tpu.memref_slice %arg3[%dma_start3A_227, %dma_start3A_228] : memref<1015808x32xf32, #tpu.memory_space<hbm>> -> memref<1015808x32xf32, #tpu.memory_space<hbm>>
        %dma_start3A_230 = tpu.memref_slice %arg7[%sub3A_217] : memref<2x!tpu.dma_semaphore, #tpu.memory_space<semaphore_mem>> -> memref<1x!tpu.dma_semaphore, #tpu.memory_space<semaphore_mem>>
        %dma_start3A_231 = tpu.memref_squeeze %dma_start3A_230 : memref<1x!tpu.dma_semaphore, #tpu.memory_space<semaphore_mem>> -> memref<!tpu.dma_semaphore, #tpu.memory_space<semaphore_mem>>
        tpu.enqueue_indirect_dma source(%dma_start3A_229 : memref<1015808x32xf32, #tpu.memory_space<hbm>>) target(%dma_start3A_225 : memref<128x32xf32, #tpu.memory_space<vmem>>) offsets(%dma_start3A_226 : memref<128xi32, #tpu.memory_space<vmem>>) semaphore(%dma_start3A_231 : memref<!tpu.dma_semaphore, #tpu.memory_space<semaphore_mem>>)
        %mul3A_232 = arith.constant 1280 : i32
        %mul3A_233 = arith.muli %add3A_216, %mul3A_232 : i32
        %add3A_234 = arith.constant 128 : i32
        %add3A_235 = arith.addi %mul3A_233, %add3A_234 : i32
        %dma_start3A_236 = arith.constant 128 : i32
        %dma_start3A_237 = arith.constant 0 : i32
        %dma_start3A_238 = tpu.memref_slice %arg6[%sub3A_217, %dma_start3A_236, %dma_start3A_237] : memref<2x1280x32xf32, #tpu.memory_space<vmem>> -> memref<1x128x32xf32, #tpu.memory_space<vmem>>
        %dma_start3A_239 = tpu.memref_squeeze %dma_start3A_238 : memref<1x128x32xf32, #tpu.memory_space<vmem>> -> memref<128x32xf32, #tpu.memory_space<vmem>>
        %dma_start3A_240 = tpu.memref_slice %arg5[%add3A_235] : memref<25600xi32, #tpu.memory_space<vmem>> -> memref<128xi32, #tpu.memory_space<vmem>>
        %dma_start3A_241 = arith.constant 0 : i32
        %dma_start3A_242 = arith.constant 0 : i32
        %dma_start3A_243 = tpu.memref_slice %arg3[%dma_start3A_241, %dma_start3A_242] : memref<1015808x32xf32, #tpu.memory_space<hbm>> -> memref<1015808x32xf32, #tpu.memory_space<hbm>>
        %dma_start3A_244 = tpu.memref_slice %arg7[%sub3A_217] : memref<2x!tpu.dma_semaphore, #tpu.memory_space<semaphore_mem>> -> memref<1x!tpu.dma_semaphore, #tpu.memory_space<semaphore_mem>>
        %dma_start3A_245 = tpu.memref_squeeze %dma_start3A_244 : memref<1x!tpu.dma_semaphore, #tpu.memory_space<semaphore_mem>> -> memref<!tpu.dma_semaphore, #tpu.memory_space<semaphore_mem>>
        tpu.enqueue_indirect_dma source(%dma_start3A_243 : memref<1015808x32xf32, #tpu.memory_space<hbm>>) target(%dma_start3A_239 : memref<128x32xf32, #tpu.memory_space<vmem>>) offsets(%dma_start3A_240 : memref<128xi32, #tpu.memory_space<vmem>>) semaphore(%dma_start3A_245 : memref<!tpu.dma_semaphore, #tpu.memory_space<semaphore_mem>>)
        %mul3A_246 = arith.constant 1280 : i32
        %mul3A_247 = arith.muli %add3A_216, %mul3A_246 : i32
        %add3A_248 = arith.constant 256 : i32
        %add3A_249 = arith.addi %mul3A_247, %add3A_248 : i32
        %dma_start3A_250 = arith.constant 256 : i32
        %dma_start3A_251 = arith.constant 0 : i32
        %dma_start3A_252 = tpu.memref_slice %arg6[%sub3A_217, %dma_start3A_250, %dma_start3A_251] : memref<2x1280x32xf32, #tpu.memory_space<vmem>> -> memref<1x128x32xf32, #tpu.memory_space<vmem>>
        %dma_start3A_253 = tpu.memref_squeeze %dma_start3A_252 : memref<1x128x32xf32, #tpu.memory_space<vmem>> -> memref<128x32xf32, #tpu.memory_space<vmem>>
        %dma_start3A_254 = tpu.memref_slice %arg5[%add3A_249] : memref<25600xi32, #tpu.memory_space<vmem>> -> memref<128xi32, #tpu.memory_space<vmem>>
        %dma_start3A_255 = arith.constant 0 : i32
        %dma_start3A_256 = arith.constant 0 : i32
        %dma_start3A_257 = tpu.memref_slice %arg3[%dma_start3A_255, %dma_start3A_256] : memref<1015808x32xf32, #tpu.memory_space<hbm>> -> memref<1015808x32xf32, #tpu.memory_space<hbm>>
        %dma_start3A_258 = tpu.memref_slice %arg7[%sub3A_217] : memref<2x!tpu.dma_semaphore, #tpu.memory_space<semaphore_mem>> -> memref<1x!tpu.dma_semaphore, #tpu.memory_space<semaphore_mem>>
        %dma_start3A_259 = tpu.memref_squeeze %dma_start3A_258 : memref<1x!tpu.dma_semaphore, #tpu.memory_space<semaphore_mem>> -> memref<!tpu.dma_semaphore, #tpu.memory_space<semaphore_mem>>
        tpu.enqueue_indirect_dma source(%dma_start3A_257 : memref<1015808x32xf32, #tpu.memory_space<hbm>>) target(%dma_start3A_253 : memref<128x32xf32, #tpu.memory_space<vmem>>) offsets(%dma_start3A_254 : memref<128xi32, #tpu.memory_space<vmem>>) semaphore(%dma_start3A_259 : memref<!tpu.dma_semaphore, #tpu.memory_space<semaphore_mem>>)
        %mul3A_260 = arith.constant 1280 : i32
        %mul3A_261 = arith.muli %add3A_216, %mul3A_260 : i32
        %add3A_262 = arith.constant 384 : i32
        %add3A_263 = arith.addi %mul3A_261, %add3A_262 : i32
        %dma_start3A_264 = arith.constant 384 : i32
        %dma_start3A_265 = arith.constant 0 : i32
        %dma_start3A_266 = tpu.memref_slice %arg6[%sub3A_217, %dma_start3A_264, %dma_start3A_265] : memref<2x1280x32xf32, #tpu.memory_space<vmem>> -> memref<1x128x32xf32, #tpu.memory_space<vmem>>
        %dma_start3A_267 = tpu.memref_squeeze %dma_start3A_266 : memref<1x128x32xf32, #tpu.memory_space<vmem>> -> memref<128x32xf32, #tpu.memory_space<vmem>>
        %dma_start3A_268 = tpu.memref_slice %arg5[%add3A_263] : memref<25600xi32, #tpu.memory_space<vmem>> -> memref<128xi32, #tpu.memory_space<vmem>>
        %dma_start3A_269 = arith.constant 0 : i32
        %dma_start3A_270 = arith.constant 0 : i32
        %dma_start3A_271 = tpu.memref_slice %arg3[%dma_start3A_269, %dma_start3A_270] : memref<1015808x32xf32, #tpu.memory_space<hbm>> -> memref<1015808x32xf32, #tpu.memory_space<hbm>>
        %dma_start3A_272 = tpu.memref_slice %arg7[%sub3A_217] : memref<2x!tpu.dma_semaphore, #tpu.memory_space<semaphore_mem>> -> memref<1x!tpu.dma_semaphore, #tpu.memory_space<semaphore_mem>>
        %dma_start3A_273 = tpu.memref_squeeze %dma_start3A_272 : memref<1x!tpu.dma_semaphore, #tpu.memory_space<semaphore_mem>> -> memref<!tpu.dma_semaphore, #tpu.memory_space<semaphore_mem>>
        tpu.enqueue_indirect_dma source(%dma_start3A_271 : memref<1015808x32xf32, #tpu.memory_space<hbm>>) target(%dma_start3A_267 : memref<128x32xf32, #tpu.memory_space<vmem>>) offsets(%dma_start3A_268 : memref<128xi32, #tpu.memory_space<vmem>>) semaphore(%dma_start3A_273 : memref<!tpu.dma_semaphore, #tpu.memory_space<semaphore_mem>>)
        %mul3A_274 = arith.constant 1280 : i32
        %mul3A_275 = arith.muli %add3A_216, %mul3A_274 : i32
        %add3A_276 = arith.constant 512 : i32
        %add3A_277 = arith.addi %mul3A_275, %add3A_276 : i32
        %dma_start3A_278 = arith.constant 512 : i32
        %dma_start3A_279 = arith.constant 0 : i32
        %dma_start3A_280 = tpu.memref_slice %arg6[%sub3A_217, %dma_start3A_278, %dma_start3A_279] : memref<2x1280x32xf32, #tpu.memory_space<vmem>> -> memref<1x128x32xf32, #tpu.memory_space<vmem>>
        %dma_start3A_281 = tpu.memref_squeeze %dma_start3A_280 : memref<1x128x32xf32, #tpu.memory_space<vmem>> -> memref<128x32xf32, #tpu.memory_space<vmem>>
        %dma_start3A_282 = tpu.memref_slice %arg5[%add3A_277] : memref<25600xi32, #tpu.memory_space<vmem>> -> memref<128xi32, #tpu.memory_space<vmem>>
        %dma_start3A_283 = arith.constant 0 : i32
        %dma_start3A_284 = arith.constant 0 : i32
        %dma_start3A_285 = tpu.memref_slice %arg3[%dma_start3A_283, %dma_start3A_284] : memref<1015808x32xf32, #tpu.memory_space<hbm>> -> memref<1015808x32xf32, #tpu.memory_space<hbm>>
        %dma_start3A_286 = tpu.memref_slice %arg7[%sub3A_217] : memref<2x!tpu.dma_semaphore, #tpu.memory_space<semaphore_mem>> -> memref<1x!tpu.dma_semaphore, #tpu.memory_space<semaphore_mem>>
        %dma_start3A_287 = tpu.memref_squeeze %dma_start3A_286 : memref<1x!tpu.dma_semaphore, #tpu.memory_space<semaphore_mem>> -> memref<!tpu.dma_semaphore, #tpu.memory_space<semaphore_mem>>
        tpu.enqueue_indirect_dma source(%dma_start3A_285 : memref<1015808x32xf32, #tpu.memory_space<hbm>>) target(%dma_start3A_281 : memref<128x32xf32, #tpu.memory_space<vmem>>) offsets(%dma_start3A_282 : memref<128xi32, #tpu.memory_space<vmem>>) semaphore(%dma_start3A_287 : memref<!tpu.dma_semaphore, #tpu.memory_space<semaphore_mem>>)
        %mul3A_288 = arith.constant 1280 : i32
        %mul3A_289 = arith.muli %add3A_216, %mul3A_288 : i32
        %add3A_290 = arith.constant 640 : i32
        %add3A_291 = arith.addi %mul3A_289, %add3A_290 : i32
        %dma_start3A_292 = arith.constant 640 : i32
        %dma_start3A_293 = arith.constant 0 : i32
        %dma_start3A_294 = tpu.memref_slice %arg6[%sub3A_217, %dma_start3A_292, %dma_start3A_293] : memref<2x1280x32xf32, #tpu.memory_space<vmem>> -> memref<1x128x32xf32, #tpu.memory_space<vmem>>
        %dma_start3A_295 = tpu.memref_squeeze %dma_start3A_294 : memref<1x128x32xf32, #tpu.memory_space<vmem>> -> memref<128x32xf32, #tpu.memory_space<vmem>>
        %dma_start3A_296 = tpu.memref_slice %arg5[%add3A_291] : memref<25600xi32, #tpu.memory_space<vmem>> -> memref<128xi32, #tpu.memory_space<vmem>>
        %dma_start3A_297 = arith.constant 0 : i32
        %dma_start3A_298 = arith.constant 0 : i32
        %dma_start3A_299 = tpu.memref_slice %arg3[%dma_start3A_297, %dma_start3A_298] : memref<1015808x32xf32, #tpu.memory_space<hbm>> -> memref<1015808x32xf32, #tpu.memory_space<hbm>>
        %dma_start3A_300 = tpu.memref_slice %arg7[%sub3A_217] : memref<2x!tpu.dma_semaphore, #tpu.memory_space<semaphore_mem>> -> memref<1x!tpu.dma_semaphore, #tpu.memory_space<semaphore_mem>>
        %dma_start3A_301 = tpu.memref_squeeze %dma_start3A_300 : memref<1x!tpu.dma_semaphore, #tpu.memory_space<semaphore_mem>> -> memref<!tpu.dma_semaphore, #tpu.memory_space<semaphore_mem>>
        tpu.enqueue_indirect_dma source(%dma_start3A_299 : memref<1015808x32xf32, #tpu.memory_space<hbm>>) target(%dma_start3A_295 : memref<128x32xf32, #tpu.memory_space<vmem>>) offsets(%dma_start3A_296 : memref<128xi32, #tpu.memory_space<vmem>>) semaphore(%dma_start3A_301 : memref<!tpu.dma_semaphore, #tpu.memory_space<semaphore_mem>>)
        %mul3A_302 = arith.constant 1280 : i32
        %mul3A_303 = arith.muli %add3A_216, %mul3A_302 : i32
        %add3A_304 = arith.constant 768 : i32
        %add3A_305 = arith.addi %mul3A_303, %add3A_304 : i32
        %dma_start3A_306 = arith.constant 768 : i32
        %dma_start3A_307 = arith.constant 0 : i32
        %dma_start3A_308 = tpu.memref_slice %arg6[%sub3A_217, %dma_start3A_306, %dma_start3A_307] : memref<2x1280x32xf32, #tpu.memory_space<vmem>> -> memref<1x128x32xf32, #tpu.memory_space<vmem>>
        %dma_start3A_309 = tpu.memref_squeeze %dma_start3A_308 : memref<1x128x32xf32, #tpu.memory_space<vmem>> -> memref<128x32xf32, #tpu.memory_space<vmem>>
        %dma_start3A_310 = tpu.memref_slice %arg5[%add3A_305] : memref<25600xi32, #tpu.memory_space<vmem>> -> memref<128xi32, #tpu.memory_space<vmem>>
        %dma_start3A_311 = arith.constant 0 : i32
        %dma_start3A_312 = arith.constant 0 : i32
        %dma_start3A_313 = tpu.memref_slice %arg3[%dma_start3A_311, %dma_start3A_312] : memref<1015808x32xf32, #tpu.memory_space<hbm>> -> memref<1015808x32xf32, #tpu.memory_space<hbm>>
        %dma_start3A_314 = tpu.memref_slice %arg7[%sub3A_217] : memref<2x!tpu.dma_semaphore, #tpu.memory_space<semaphore_mem>> -> memref<1x!tpu.dma_semaphore, #tpu.memory_space<semaphore_mem>>
        %dma_start3A_315 = tpu.memref_squeeze %dma_start3A_314 : memref<1x!tpu.dma_semaphore, #tpu.memory_space<semaphore_mem>> -> memref<!tpu.dma_semaphore, #tpu.memory_space<semaphore_mem>>
        tpu.enqueue_indirect_dma source(%dma_start3A_313 : memref<1015808x32xf32, #tpu.memory_space<hbm>>) target(%dma_start3A_309 : memref<128x32xf32, #tpu.memory_space<vmem>>) offsets(%dma_start3A_310 : memref<128xi32, #tpu.memory_space<vmem>>) semaphore(%dma_start3A_315 : memref<!tpu.dma_semaphore, #tpu.memory_space<semaphore_mem>>)
        %mul3A_316 = arith.constant 1280 : i32
        %mul3A_317 = arith.muli %add3A_216, %mul3A_316 : i32
        %add3A_318 = arith.constant 896 : i32
        %add3A_319 = arith.addi %mul3A_317, %add3A_318 : i32
        %dma_start3A_320 = arith.constant 896 : i32
        %dma_start3A_321 = arith.constant 0 : i32
        %dma_start3A_322 = tpu.memref_slice %arg6[%sub3A_217, %dma_start3A_320, %dma_start3A_321] : memref<2x1280x32xf32, #tpu.memory_space<vmem>> -> memref<1x128x32xf32, #tpu.memory_space<vmem>>
        %dma_start3A_323 = tpu.memref_squeeze %dma_start3A_322 : memref<1x128x32xf32, #tpu.memory_space<vmem>> -> memref<128x32xf32, #tpu.memory_space<vmem>>
        %dma_start3A_324 = tpu.memref_slice %arg5[%add3A_319] : memref<25600xi32, #tpu.memory_space<vmem>> -> memref<128xi32, #tpu.memory_space<vmem>>
        %dma_start3A_325 = arith.constant 0 : i32
        %dma_start3A_326 = arith.constant 0 : i32
        %dma_start3A_327 = tpu.memref_slice %arg3[%dma_start3A_325, %dma_start3A_326] : memref<1015808x32xf32, #tpu.memory_space<hbm>> -> memref<1015808x32xf32, #tpu.memory_space<hbm>>
        %dma_start3A_328 = tpu.memref_slice %arg7[%sub3A_217] : memref<2x!tpu.dma_semaphore, #tpu.memory_space<semaphore_mem>> -> memref<1x!tpu.dma_semaphore, #tpu.memory_space<semaphore_mem>>
        %dma_start3A_329 = tpu.memref_squeeze %dma_start3A_328 : memref<1x!tpu.dma_semaphore, #tpu.memory_space<semaphore_mem>> -> memref<!tpu.dma_semaphore, #tpu.memory_space<semaphore_mem>>
        tpu.enqueue_indirect_dma source(%dma_start3A_327 : memref<1015808x32xf32, #tpu.memory_space<hbm>>) target(%dma_start3A_323 : memref<128x32xf32, #tpu.memory_space<vmem>>) offsets(%dma_start3A_324 : memref<128xi32, #tpu.memory_space<vmem>>) semaphore(%dma_start3A_329 : memref<!tpu.dma_semaphore, #tpu.memory_space<semaphore_mem>>)
        %mul3A_330 = arith.constant 1280 : i32
        %mul3A_331 = arith.muli %add3A_216, %mul3A_330 : i32
        %add3A_332 = arith.constant 1024 : i32
        %add3A_333 = arith.addi %mul3A_331, %add3A_332 : i32
        %dma_start3A_334 = arith.constant 1024 : i32
        %dma_start3A_335 = arith.constant 0 : i32
        %dma_start3A_336 = tpu.memref_slice %arg6[%sub3A_217, %dma_start3A_334, %dma_start3A_335] : memref<2x1280x32xf32, #tpu.memory_space<vmem>> -> memref<1x128x32xf32, #tpu.memory_space<vmem>>
        %dma_start3A_337 = tpu.memref_squeeze %dma_start3A_336 : memref<1x128x32xf32, #tpu.memory_space<vmem>> -> memref<128x32xf32, #tpu.memory_space<vmem>>
        %dma_start3A_338 = tpu.memref_slice %arg5[%add3A_333] : memref<25600xi32, #tpu.memory_space<vmem>> -> memref<128xi32, #tpu.memory_space<vmem>>
        %dma_start3A_339 = arith.constant 0 : i32
        %dma_start3A_340 = arith.constant 0 : i32
        %dma_start3A_341 = tpu.memref_slice %arg3[%dma_start3A_339, %dma_start3A_340] : memref<1015808x32xf32, #tpu.memory_space<hbm>> -> memref<1015808x32xf32, #tpu.memory_space<hbm>>
        %dma_start3A_342 = tpu.memref_slice %arg7[%sub3A_217] : memref<2x!tpu.dma_semaphore, #tpu.memory_space<semaphore_mem>> -> memref<1x!tpu.dma_semaphore, #tpu.memory_space<semaphore_mem>>
        %dma_start3A_343 = tpu.memref_squeeze %dma_start3A_342 : memref<1x!tpu.dma_semaphore, #tpu.memory_space<semaphore_mem>> -> memref<!tpu.dma_semaphore, #tpu.memory_space<semaphore_mem>>
        tpu.enqueue_indirect_dma source(%dma_start3A_341 : memref<1015808x32xf32, #tpu.memory_space<hbm>>) target(%dma_start3A_337 : memref<128x32xf32, #tpu.memory_space<vmem>>) offsets(%dma_start3A_338 : memref<128xi32, #tpu.memory_space<vmem>>) semaphore(%dma_start3A_343 : memref<!tpu.dma_semaphore, #tpu.memory_space<semaphore_mem>>)
        %mul3A_344 = arith.constant 1280 : i32
        %mul3A_345 = arith.muli %add3A_216, %mul3A_344 : i32
        %add3A_346 = arith.constant 1152 : i32
        %add3A_347 = arith.addi %mul3A_345, %add3A_346 : i32
        %dma_start3A_348 = arith.constant 1152 : i32
        %dma_start3A_349 = arith.constant 0 : i32
        %dma_start3A_350 = tpu.memref_slice %arg6[%sub3A_217, %dma_start3A_348, %dma_start3A_349] : memref<2x1280x32xf32, #tpu.memory_space<vmem>> -> memref<1x128x32xf32, #tpu.memory_space<vmem>>
        %dma_start3A_351 = tpu.memref_squeeze %dma_start3A_350 : memref<1x128x32xf32, #tpu.memory_space<vmem>> -> memref<128x32xf32, #tpu.memory_space<vmem>>
        %dma_start3A_352 = tpu.memref_slice %arg5[%add3A_347] : memref<25600xi32, #tpu.memory_space<vmem>> -> memref<128xi32, #tpu.memory_space<vmem>>
        %dma_start3A_353 = arith.constant 0 : i32
        %dma_start3A_354 = arith.constant 0 : i32
        %dma_start3A_355 = tpu.memref_slice %arg3[%dma_start3A_353, %dma_start3A_354] : memref<1015808x32xf32, #tpu.memory_space<hbm>> -> memref<1015808x32xf32, #tpu.memory_space<hbm>>
        %dma_start3A_356 = tpu.memref_slice %arg7[%sub3A_217] : memref<2x!tpu.dma_semaphore, #tpu.memory_space<semaphore_mem>> -> memref<1x!tpu.dma_semaphore, #tpu.memory_space<semaphore_mem>>
        %dma_start3A_357 = tpu.memref_squeeze %dma_start3A_356 : memref<1x!tpu.dma_semaphore, #tpu.memory_space<semaphore_mem>> -> memref<!tpu.dma_semaphore, #tpu.memory_space<semaphore_mem>>
        tpu.enqueue_indirect_dma source(%dma_start3A_355 : memref<1015808x32xf32, #tpu.memory_space<hbm>>) target(%dma_start3A_351 : memref<128x32xf32, #tpu.memory_space<vmem>>) offsets(%dma_start3A_352 : memref<128xi32, #tpu.memory_space<vmem>>) semaphore(%dma_start3A_357 : memref<!tpu.dma_semaphore, #tpu.memory_space<semaphore_mem>>)
      } else {
      }
      %mul3A_194 = arith.constant 1280 : i32
      %mul3A_195 = arith.muli %scan3A_172, %mul3A_194 : i32
      %add3A_196 = arith.addi %mul3A_2, %mul3A_195 : i32
      %dma_start3A_197 = arith.constant 0 : i32
      %dma_start3A_198 = arith.constant 0 : i32
      %dma_start3A_199 = tpu.memref_slice %arg6[%rem3A_173, %dma_start3A_197, %dma_start3A_198] : memref<2x1280x32xf32, #tpu.memory_space<vmem>> -> memref<1x1280x32xf32, #tpu.memory_space<vmem>>
      %dma_start3A_200 = tpu.memref_squeeze %dma_start3A_199 : memref<1x1280x32xf32, #tpu.memory_space<vmem>> -> memref<1280x32xf32, #tpu.memory_space<vmem>>
      %dma_start3A_201 = arith.constant 0 : i32
      %dma_start3A_202 = tpu.memref_slice %arg4[%add3A_196, %dma_start3A_201] : memref<819200x32xf32, #tpu.memory_space<hbm>> -> memref<1280x32xf32, #tpu.memory_space<hbm>>
      %dma_start3A_203 = tpu.memref_slice %arg8[%rem3A_173] : memref<2x!tpu.dma_semaphore, #tpu.memory_space<semaphore_mem>> -> memref<1x!tpu.dma_semaphore, #tpu.memory_space<semaphore_mem>>
      %dma_start3A_204 = tpu.memref_squeeze %dma_start3A_203 : memref<1x!tpu.dma_semaphore, #tpu.memory_space<semaphore_mem>> -> memref<!tpu.dma_semaphore, #tpu.memory_space<semaphore_mem>>
      %dma_start3A_205 = arith.constant 0 : i32
      %dma_start3A_206 = tpu.memref_slice %arg4[%add3A_196, %dma_start3A_205] : memref<819200x32xf32, #tpu.memory_space<hbm>> -> memref<1280x32xf32, #tpu.memory_space<hbm>>
      %dma_start3A_207 = arith.constant 0 : i32
      %dma_start3A_208 = arith.constant 0 : i32
      %dma_start3A_209 = tpu.memref_slice %arg6[%rem3A_173, %dma_start3A_207, %dma_start3A_208] : memref<2x1280x32xf32, #tpu.memory_space<vmem>> -> memref<1x1280x32xf32, #tpu.memory_space<vmem>>
      %dma_start3A_210 = tpu.memref_squeeze %dma_start3A_209 : memref<1x1280x32xf32, #tpu.memory_space<vmem>> -> memref<1280x32xf32, #tpu.memory_space<vmem>>
      tpu.enqueue_dma source(%dma_start3A_210 : memref<1280x32xf32, #tpu.memory_space<vmem>>) target(%dma_start3A_206 : memref<1280x32xf32, #tpu.memory_space<hbm>>) target_semaphore(%dma_start3A_204 : memref<!tpu.dma_semaphore, #tpu.memory_space<semaphore_mem>>)
    }
    %scan3A_136 = arith.constant 20 : i32
    %dma_wait3A = arith.constant 0 : i32
    %dma_wait3A_137 = arith.constant 0 : i32
    %dma_wait3A_138 = arith.constant 0 : i32
    %dma_wait3A_139 = arith.constant 0 : i32
    %dma_wait3A_140 = tpu.memref_slice %arg6[%dma_wait3A, %dma_wait3A_138, %dma_wait3A_139] : memref<2x1280x32xf32, #tpu.memory_space<vmem>> -> memref<1x1280x32xf32, #tpu.memory_space<vmem>>
    %dma_wait3A_141 = tpu.memref_squeeze %dma_wait3A_140 : memref<1x1280x32xf32, #tpu.memory_space<vmem>> -> memref<1280x32xf32, #tpu.memory_space<vmem>>
    %dma_wait3A_142 = arith.constant 0 : i32
    %dma_wait3A_143 = arith.constant 0 : i32
    %dma_wait3A_144 = tpu.memref_slice %arg3[%dma_wait3A_142, %dma_wait3A_143] : memref<1015808x32xf32, #tpu.memory_space<hbm>> -> memref<1280x32xf32, #tpu.memory_space<hbm>>
    %dma_wait3A_145 = tpu.memref_slice %arg8[%dma_wait3A_137] : memref<2x!tpu.dma_semaphore, #tpu.memory_space<semaphore_mem>> -> memref<1x!tpu.dma_semaphore, #tpu.memory_space<semaphore_mem>>
    %dma_wait3A_146 = tpu.memref_squeeze %dma_wait3A_145 : memref<1x!tpu.dma_semaphore, #tpu.memory_space<semaphore_mem>> -> memref<!tpu.dma_semaphore, #tpu.memory_space<semaphore_mem>>
    %dma_wait3A_147 = arith.constant 0 : i32
    %dma_wait3A_148 = arith.constant 0 : i32
    %dma_wait3A_149 = tpu.memref_slice %arg6[%dma_wait3A, %dma_wait3A_147, %dma_wait3A_148] : memref<2x1280x32xf32, #tpu.memory_space<vmem>> -> memref<1x1280x32xf32, #tpu.memory_space<vmem>>
    %dma_wait3A_150 = tpu.memref_squeeze %dma_wait3A_149 : memref<1x1280x32xf32, #tpu.memory_space<vmem>> -> memref<1280x32xf32, #tpu.memory_space<vmem>>
    %dma_wait3A_151 = arith.constant 0 : i32
    %dma_wait3A_152 = arith.constant 0 : i32
    %dma_wait3A_153 = tpu.memref_slice %arg3[%dma_wait3A_151, %dma_wait3A_152] : memref<1015808x32xf32, #tpu.memory_space<hbm>> -> memref<1280x32xf32, #tpu.memory_space<hbm>>
    tpu.wait_dma2 semaphore(%dma_wait3A_146 : memref<!tpu.dma_semaphore, #tpu.memory_space<semaphore_mem>>) src(%dma_wait3A_153 : memref<1280x32xf32, #tpu.memory_space<hbm>>) dst(%dma_wait3A_150 : memref<1280x32xf32, #tpu.memory_space<vmem>>)
    %dma_wait3A_154 = arith.constant 1 : i32
    %dma_wait3A_155 = arith.constant 1 : i32
    %dma_wait3A_156 = arith.constant 0 : i32
    %dma_wait3A_157 = arith.constant 0 : i32
    %dma_wait3A_158 = tpu.memref_slice %arg6[%dma_wait3A_154, %dma_wait3A_156, %dma_wait3A_157] : memref<2x1280x32xf32, #tpu.memory_space<vmem>> -> memref<1x1280x32xf32, #tpu.memory_space<vmem>>
    %dma_wait3A_159 = tpu.memref_squeeze %dma_wait3A_158 : memref<1x1280x32xf32, #tpu.memory_space<vmem>> -> memref<1280x32xf32, #tpu.memory_space<vmem>>
    %dma_wait3A_160 = arith.constant 0 : i32
    %dma_wait3A_161 = arith.constant 0 : i32
    %dma_wait3A_162 = tpu.memref_slice %arg3[%dma_wait3A_160, %dma_wait3A_161] : memref<1015808x32xf32, #tpu.memory_space<hbm>> -> memref<1280x32xf32, #tpu.memory_space<hbm>>
    %dma_wait3A_163 = tpu.memref_slice %arg8[%dma_wait3A_155] : memref<2x!tpu.dma_semaphore, #tpu.memory_space<semaphore_mem>> -> memref<1x!tpu.dma_semaphore, #tpu.memory_space<semaphore_mem>>
    %dma_wait3A_164 = tpu.memref_squeeze %dma_wait3A_163 : memref<1x!tpu.dma_semaphore, #tpu.memory_space<semaphore_mem>> -> memref<!tpu.dma_semaphore, #tpu.memory_space<semaphore_mem>>
    %dma_wait3A_165 = arith.constant 0 : i32
    %dma_wait3A_166 = arith.constant 0 : i32
    %dma_wait3A_167 = tpu.memref_slice %arg6[%dma_wait3A_154, %dma_wait3A_165, %dma_wait3A_166] : memref<2x1280x32xf32, #tpu.memory_space<vmem>> -> memref<1x1280x32xf32, #tpu.memory_space<vmem>>
    %dma_wait3A_168 = tpu.memref_squeeze %dma_wait3A_167 : memref<1x1280x32xf32, #tpu.memory_space<vmem>> -> memref<1280x32xf32, #tpu.memory_space<vmem>>
    %dma_wait3A_169 = arith.constant 0 : i32
    %dma_wait3A_170 = arith.constant 0 : i32
    %dma_wait3A_171 = tpu.memref_slice %arg3[%dma_wait3A_169, %dma_wait3A_170] : memref<1015808x32xf32, #tpu.memory_space<hbm>> -> memref<1280x32xf32, #tpu.memory_space<hbm>>
    tpu.wait_dma2 semaphore(%dma_wait3A_164 : memref<!tpu.dma_semaphore, #tpu.memory_space<semaphore_mem>>) src(%dma_wait3A_171 : memref<1280x32xf32, #tpu.memory_space<hbm>>) dst(%dma_wait3A_168 : memref<1280x32xf32, #tpu.memory_space<vmem>>)
    return
  }
}

module attributes {stable_mosaic.version = 14 : i64} {
  func.func @_pack_body(%arg0: i32, %arg1: memref<32x32768xf32, #tpu.memory_space<vmem>>, %arg2: memref<8192x128xf32, #tpu.memory_space<vmem>>) attributes {dimension_semantics = [#tpu.dimension_semantics<arbitrary>], iteration_bounds = array<i64: 31>, scalar_prefetch = 0 : i64, scratch_operands = 0 : i64, tpu.core_type = #tpu.core_type<tc>, window_params = [{transform_indices = @transform_0, window_bounds = array<i64: 32, 32768>}, {transform_indices = @transform_1, window_bounds = array<i64: 8192, 128>}]} {
    %get3A = arith.constant 0 : index
    %get3A_0 = arith.constant 0 : index
    %get3A_1 = vector.load %arg1[%get3A, %get3A_0] : memref<32x32768xf32, #tpu.memory_space<vmem>>, vector<32x32768xf32>
    %transpose3A = tpu.transpose %get3A_1, [1, 0] : vector<32x32768xf32> -> vector<32768x32xf32>
    %slice3A = vector.extract_strided_slice %transpose3A {offsets = [0, 0], sizes = [8192, 32], strides = [1, 1]} : vector<32768x32xf32> to vector<8192x32xf32>
    %swap3A = arith.constant 0 : index
    %swap3A_2 = arith.constant 0 : index
    %swap3A_3 = vector.load %arg2[%swap3A, %swap3A_2] : memref<8192x128xf32, #tpu.memory_space<vmem>>, vector<8192x32xf32>
    tpu.vector_store %arg2[%swap3A, %swap3A_2], %slice3A {strides = array<i32>} : memref<8192x128xf32, #tpu.memory_space<vmem>>, vector<8192x32xf32>,
    %slice3A_4 = vector.extract_strided_slice %transpose3A {offsets = [8192, 0], sizes = [8192, 32], strides = [1, 1]} : vector<32768x32xf32> to vector<8192x32xf32>
    %swap3A_5 = arith.constant 0 : index
    %swap3A_6 = arith.constant 32 : index
    %swap3A_7 = vector.load %arg2[%swap3A_5, %swap3A_6] : memref<8192x128xf32, #tpu.memory_space<vmem>>, vector<8192x32xf32>
    tpu.vector_store %arg2[%swap3A_5, %swap3A_6], %slice3A_4 {strides = array<i32>} : memref<8192x128xf32, #tpu.memory_space<vmem>>, vector<8192x32xf32>,
    %slice3A_8 = vector.extract_strided_slice %transpose3A {offsets = [16384, 0], sizes = [8192, 32], strides = [1, 1]} : vector<32768x32xf32> to vector<8192x32xf32>
    %swap3A_9 = arith.constant 0 : index
    %swap3A_10 = arith.constant 64 : index
    %swap3A_11 = vector.load %arg2[%swap3A_9, %swap3A_10] : memref<8192x128xf32, #tpu.memory_space<vmem>>, vector<8192x32xf32>
    tpu.vector_store %arg2[%swap3A_9, %swap3A_10], %slice3A_8 {strides = array<i32>} : memref<8192x128xf32, #tpu.memory_space<vmem>>, vector<8192x32xf32>,
    %slice3A_12 = vector.extract_strided_slice %transpose3A {offsets = [24576, 0], sizes = [8192, 32], strides = [1, 1]} : vector<32768x32xf32> to vector<8192x32xf32>
    %swap3A_13 = arith.constant 0 : index
    %swap3A_14 = arith.constant 96 : index
    %swap3A_15 = vector.load %arg2[%swap3A_13, %swap3A_14] : memref<8192x128xf32, #tpu.memory_space<vmem>>, vector<8192x32xf32>
    tpu.vector_store %arg2[%swap3A_13, %swap3A_14], %slice3A_12 {strides = array<i32>} : memref<8192x128xf32, #tpu.memory_space<vmem>>, vector<8192x32xf32>,
    return
  }
  func.func @transform_0(%arg0: i32) -> (i32, i32) {
    %c0_i32 = arith.constant 0 : i32
    %c0_i32_0 = arith.constant 0 : i32
    return %c0_i32, %arg0 : i32, i32
  }
  func.func @transform_1(%arg0: i32) -> (i32, i32) {
    %c0_i32 = arith.constant 0 : i32
    %c0_i32_0 = arith.constant 0 : i32
    return %arg0, %c0_i32 : i32, i32
  }
}

module attributes {stable_mosaic.version = 14 : i64} {
  func.func @_proj_body(%arg0: i32, %arg1: memref<3200x128xf32, #tpu.memory_space<vmem>>, %arg2: memref<128x512xf32, #tpu.memory_space<vmem>>, %arg3: memref<12800x128xf32, #tpu.memory_space<vmem>>) attributes {dimension_semantics = [#tpu.dimension_semantics<arbitrary>], iteration_bounds = array<i64: 64>, scalar_prefetch = 0 : i64, scratch_operands = 0 : i64, tpu.core_type = #tpu.core_type<tc>, window_params = [{transform_indices = @transform_0, window_bounds = array<i64: 3200, 128>}, {pipeline_mode = #tpu.pipeline_mode<synchronous>, transform_indices = @transform_1, window_bounds = array<i64: 128, 512>}, {transform_indices = @transform_2, window_bounds = array<i64: 12800, 128>}]} {
    %get3A = arith.constant 0 : index
    %get3A_0 = arith.constant 0 : index
    %get3A_1 = vector.load %arg1[%get3A, %get3A_0] : memref<3200x128xf32, #tpu.memory_space<vmem>>, vector<3200x128xf32>
    %get3A_2 = arith.constant 0 : index
    %get3A_3 = arith.constant 0 : index
    %get3A_4 = vector.load %arg2[%get3A_2, %get3A_3] : memref<128x512xf32, #tpu.memory_space<vmem>>, vector<128x512xf32>
    %dot_general3A = arith.constant dense<0.000000e+00> : vector<3200x512xf32>
    %dot_general3A_5 = tpu.matmul %get3A_1, %get3A_4, %dot_general3A {dimension_numbers = #tpu.dot_dimension_numbers<[1], [0], [0], [1], [0, 0, 1, 1], [], []>, transpose_lhs_hint = false} : vector<3200x128xf32>, vector<128x512xf32>, vector<3200x512xf32> -> vector<3200x512xf32>
    %reshape3A = vector.shape_cast %dot_general3A_5 : vector<3200x512xf32> to vector<12800x128xf32>
    %swap3A = arith.constant 0 : index
    %swap3A_6 = arith.constant 0 : index
    %swap3A_7 = vector.load %arg3[%swap3A, %swap3A_6] : memref<12800x128xf32, #tpu.memory_space<vmem>>, vector<12800x128xf32>
    tpu.vector_store %arg3[%swap3A, %swap3A_6], %reshape3A {strides = array<i32>} : memref<12800x128xf32, #tpu.memory_space<vmem>>, vector<12800x128xf32>,
    return
  }
  func.func @transform_0(%arg0: i32) -> (i32, i32) {
    %c0_i32 = arith.constant 0 : i32
    %c0_i32_0 = arith.constant 0 : i32
    return %arg0, %c0_i32 : i32, i32
  }
  func.func @transform_1(%arg0: i32) -> (i32, i32) {
    %c0_i32 = arith.constant 0 : i32
    %c0_i32_0 = arith.constant 0 : i32
    %c0_i32_1 = arith.constant 0 : i32
    return %c0_i32, %c0_i32_0 : i32, i32
  }
  func.func @transform_2(%arg0: i32) -> (i32, i32) {
    %c0_i32 = arith.constant 0 : i32
    %c0_i32_0 = arith.constant 0 : i32
    return %arg0, %c0_i32 : i32, i32
  }
}

</mosaic_0001>

<sc_bundles>
// kernel: kernel.6.cloned.1.call-start
scs
__scs_entry_jumppad:
0x0: {  	(pc) =	sbr.rel $0x88, $3  }
0x1: {  	(tag) =	ssettag $0x0;
	lr =	simm.s32 $0x1  }
0x2: {  	[smem:$0x3F9D] =	sst lr;
	_ =	strace $0xD0000000  }
0x3: {  	_ = 	snop  }
0x4: {  	_ = 	snop  }
0x5: {  	_ = 	snop  }
0x6: {  	_ = 	snop  }
0x7: {  	_ = 	snop  }
__scs_overlays_trampoline_lowered:
0x8: {  	[smem:$0x3FAC] =	sst s0  }
0x9: {  	[smem:$0x3FAD] =	sst s1  }
0xa: {  	[smem:$0x3FAE] =	sst s2  }
0xb: {  	[smem:$0x3FAF] =	sst s3  }
0xc: {  	[smem:$0x3FB0] =	sst s4  }
0xd: {  	[smem:$0x3FB1] =	sst s5  }
0xe: {  	[smem:$0x3FB2] =	sst s6  }
0xf: {  	[smem:$0x3FB3] =	sst s7  }
0x10: {  	[smem:$0x3FB4] =	sst s8  }
0x11: {  	[smem:$0x3FB5] =	sst s9;
	s0 =	simm.s32 @!p0 $0x0  }
0x12: {  	s1 =	sld [smem:$0x3F9B];
	s0 =	simm.s32 @p0 $0x1  }
0x13: {  	[smem:$0x3FB6] =	sst s0;
	s0 =	simm.s32 @!p1 $0x0  }
0x14: {  	s2 =	sld [smem:$0x3F9A];
	s0 =	simm.s32 @p1 $0x1  }
0x15: {  	[smem:$0x3FB7] =	sst s0;
	s0 =	simm.s32 @!p2 $0x0  }
0x16: {  	s3 =	sld [smem:$0x3FDB];
	s0 =	simm.s32 @p2 $0x1  }
0x17: {  	s4 =	simm.s32 $0x1BF5;
	[smem:$0x3FB9] =	sst s0  }
0x18: {  	s0 =	sld [smem:$0x3F9C];
	_ =	swait.ge [sflag:s4], $0x0  }
0x19: {  	s7 =	sld [smem:$0x3F9D]  }
0x1a: {  	s8 =	sadd.s32 $0xFFFFE003, lr  }
0x1b: {  	s9 =	sadd.s32 $0xFFFFFEF7, lr;
	s5 =	simm.s32 $0xFFFFFFFF;
	p2 =	slt.u32 s8, $0xFFFFF086  }
0x1c: {  	p1 =	slt.u32 s9, $0xF7A;
	s5 =	simm.s32 @!p2 $0x0  }
0x1d: {  	s5 =	simm.s32 @p1 $0x1;
	p0 =	seq.s32 s7, s2  }
0x1e: {  	s7 =	smul.u32 @!p0 $0xF7A, s2;
	p2 =	seq.s32 @!p0 s5, $0x0  }
0x1f: {  	s9 =	smul.u32 $0xF7A, s1;
	s8 =	simm.s32 @!p0 $0x1BF5;
	p2 =	por !p2, p0  }
0x20: {  	[sflag:s8] =	ssyncset.s32 @!p0 $0xFFFFF086;
	s6 =	sadd.s32 @!p0 s3, s7;
	s7 =	simm.s32 @!p0 $0x108  }
0x21: {  	s3 =	sadd.s32 s3, s9;
	s6 =	sadd.s32 @!p0 $0x88, s6;
	s7 =	simm.s32 @p2 $0x1082  }
0x22: {  	[simem:s7], [sflag:s8] =	dma.local @!p0 [hbm:s6], $0xF7A  }
0x23: {  	s9 =	sor.u32 $0xD0000000, s2;
	s6 =	simm.s32 $0x108;
	_ =	swait.ge @!p0 [sflag:s8], $0x0  }
0x24: {  	s3 =	sadd.s32 $0x88, s3;
	s6 =	simm.s32 @!p1 $0x1082;
	[sflag:s4] =	ssyncset.s32 $0xFFFFF086  }
0x25: {  	[simem:s6], [sflag:s4] =	dma.local [hbm:s3], $0xF7A  }
0x26: {  	[smem:$0x3F9D] =	sst s1;
	(tag) =	ssettag s2;
	_ =	strace s9  }
0x27: {  	s1 =	sld [smem:$0x3FAD]  }
0x28: {  	s2 =	sld [smem:$0x3FAE]  }
0x29: {  	s4 =	sld [smem:$0x3FB0]  }
0x2a: {  	p0 =	seq.s32 s5, $0x0;
	s5 =	sld [smem:$0x3FB1]  }
0x2b: {  	s6 =	sld [smem:$0x3FB2]  }
0x2c: {  	s7 =	sld [smem:$0x3FB3]  }
0x2d: {  	s3 =	simm.s32 $0x108;
	s8 =	sld [smem:$0x3FB4]  }
0x2e: {  	s3 =	simm.s32 @!p0 $0x1082;
	s9 =	sld [smem:$0x3FB5]  }
0x2f: {  	lr =	sadd.s32 s0, s3;
	s0 =	sld [smem:$0x3FAC]  }
0x30: {  	s3 =	sld [smem:$0x3FAF]  }
0x31: {  	[smem:$0x3FB8] =	sst s10  }
0x32: {  	s10 =	sld [smem:$0x3FB6];
	_ =	sdelay $0x3  }
0x33: {  	p0 =	seq.s32 s10, $0x1;
	s10 =	sld [smem:$0x3FB8];
	_ =	sdelay $0x3  }
0x34: {  	[smem:$0x3FB8] =	sst s10  }
0x35: {  	s10 =	sld [smem:$0x3FB7];
	_ =	sdelay $0x3  }
0x36: {  	p1 =	seq.s32 s10, $0x1;
	s10 =	sld [smem:$0x3FB8];
	_ =	sdelay $0x3  }
0x37: {  	[smem:$0x3FB8] =	sst s10  }
0x38: {  	s10 =	sld [smem:$0x3FB9]  }
0x39: {  	_ = 	snop;
	(pc) =	sbr.ind lr, $3  }
0x3a: {  	_ = 	snop  }
0x3b: {  	_ = 	snop  }
0x3c: {  	p2 =	seq.s32 s10, $0x1;
	s10 =	sld [smem:$0x3FB8]  }
0x3d: {  	_ =	shalt  }
0x3e: {  	_ =	shalt  }
0x3f: {  	_ =	shalt  }
0x40: {  	_ =	shalt  }
0x41: {  	_ =	shalt  }
0x42: {  	_ =	shalt  }
0x43: {  	_ =	shalt  }
0x44: {  	_ =	shalt  }
0x45: {  	_ =	shalt  }
0x46: {  	_ =	shalt  }
0x47: {  	_ =	shalt  }
0x48: {  	_ =	shalt  }
0x49: {  	_ =	shalt  }
0x4a: {  	_ =	shalt  }
0x4b: {  	_ =	shalt  }
0x4c: {  	_ =	shalt  }
0x4d: {  	_ =	shalt  }
0x4e: {  	_ =	shalt  }
0x4f: {  	_ =	shalt  }
0x50: {  	_ =	shalt  }
0x51: {  	_ =	shalt  }
0x52: {  	_ =	shalt  }
0x53: {  	_ =	shalt  }
0x54: {  	_ =	shalt  }
0x55: {  	_ =	shalt  }
0x56: {  	_ =	shalt  }
0x57: {  	_ =	shalt  }
0x58: {  	_ =	shalt  }
0x59: {  	_ =	shalt  }
0x5a: {  	_ =	shalt  }
0x5b: {  	_ =	shalt  }
0x5c: {  	_ =	shalt  }
0x5d: {  	_ =	shalt  }
0x5e: {  	_ =	shalt  }
0x5f: {  	_ =	shalt  }
0x60: {  	_ =	shalt  }
0x61: {  	_ =	shalt  }
0x62: {  	_ =	shalt  }
0x63: {  	_ =	shalt  }
0x64: {  	_ =	shalt  }
0x65: {  	_ =	shalt  }
0x66: {  	_ =	shalt  }
0x67: {  	_ =	shalt  }
0x68: {  	_ =	shalt  }
0x69: {  	_ =	shalt  }
0x6a: {  	_ =	shalt  }
0x6b: {  	_ =	shalt  }
0x6c: {  	_ =	shalt  }
0x6d: {  	_ =	shalt  }
0x6e: {  	_ =	shalt  }
0x6f: {  	_ =	shalt  }
0x70: {  	_ =	shalt  }
0x71: {  	_ =	shalt  }
0x72: {  	_ =	shalt  }
0x73: {  	_ =	shalt  }
0x74: {  	_ =	shalt  }
0x75: {  	_ =	shalt  }
0x76: {  	_ =	shalt  }
0x77: {  	_ =	shalt  }
0x78: {  	_ =	shalt  }
0x79: {  	_ =	shalt  }
0x7a: {  	_ =	shalt  }
0x7b: {  	_ =	shalt  }
0x7c: {  	_ =	shalt  }
0x7d: {  	_ =	shalt  }
0x7e: {  	_ =	shalt  }
0x7f: {  	_ =	shalt  }
0x80: {  	_ =	shalt  }
0x81: {  	_ =	shalt  }
0x82: {  	_ =	shalt  }
0x83: {  	_ =	shalt  }
0x84: {  	_ =	shalt  }
0x85: {  	_ =	shalt  }
0x86: {  	_ =	shalt  }
0x87: {  	_ =	shalt  }
.Lfunc_end0:
.L_simem_size_0:
called_computation_lowered:
.L_overlay_start_0:
0x88: {  	s2 =	sld [smem:$0x3FD9]  }
0x89: {  	s3 =	sld [smem:$0x3FFE];
	_ =	sdelay $0x1  }
0x8a: {  	s1 =	srdreg.scid  }
0x8b: {  	s0 =	sand.u32 $0x1, s1  }
0x8c: {  	s16 =	sshll.u32 s0, $0xA;
	s2 =	sadd.s32 s3, s2  }
0x8d: {  	s2 =	sadd.s32 s2, s16  }
0x8e: {  	[smem:$0x3FC4] =	sst s2  }
0x8f: {  	_ = 	snop  }
0x90: {  	(tm) =	ssettm $0x1  }
0x91: {  	s17 =	sld [smem:$0x3FFB];
	_ =	sdelay $0x3  }
0x92: {  	_ =	strace s17  }
0x93: {  	s2 =	sld [smem:$0x3FFC];
	_ =	sdelay $0x3  }
0x94: {  	_ =	strace s2  }
0x95: {  	s2 =	sld [smem:$0x3FFD];
	_ =	sdelay $0x3  }
0x96: {  	_ =	strace s2  }
0x97: {  	_ =	strace $0x8FFFFFFF  }
0x98: {  	s18 =	sld [smem:$0x3FDB];
	_ =	sdelay $0x1  }
0x99: {  	s19 =	simm.s32 $_scs_section_size  }
0x9a: {  	s4 =	simm.s32 $_size__tile_overlayer_lowered;
	s5 =	simm.s32 $_tile_overlayer_lowered  }
0x9b: {  	s22 =	simm.s32 $0x1BFF;
	s21 =	sshll.u32 s5, $0x1;
	s2 =	sadd.s32 s19, s18  }
0x9c: {  	s6 =	simm.s32 $0x0;
	s20 =	sshll.u32 s4, $0x1;
	s4 =	sadd.s32 s21, s2  }
0x9d: {  	[timem:s6], [sflag:s22] =	dma.local [hbm:s4], s20  }
0x9e: {  	_ =	swait.ge [sflag:s22], s20  }
0x9f: {  	s3 =	ssub.s32 $0x0, s20;
	[sflag:s22] =	ssyncset.done $0x0  }
0xa0: {  	[sflag:s22] =	ssyncadd.s32 s3;
	_ =	sdelay $0x1  }
0xa1: {  	s23 =	simm.s32 $0x1B8B  }
0xa2: {  	_ =	swait.ge [sflag:s23], $0x1  }
0xa3: {  	[sflag:s23] =	ssyncset.done $0x0  }
0xa4: {  	s25 =	simm.s32 $0x1B8E;
	s24 =	sld [smem:$0x3FFE];
	[sflag:s23] =	ssyncadd.s32 $0xFFFFFFFF  }
0xa5: {  	s26 =	simm.s32 $execute0_lowered;
	[smem:$0x3FD2] =	sst s25  }
0xa6: {  	s4 =	sshll.u32 s26, $0x1;
	_ =	strace $0x80000046;
	[dreg:$0x1] =	wrdreg $0xFFFFFFFF  }
0xa7: {  	s28 =	simm.s32 $_size_execute0_lowered;
	s2 =	sadd.s32 s2, s4;
	[dreg:$0x0] =	wrdreg $0x0  }
0xa8: {  	s4 =	sshll.u32 s28, $0x1;
	[dreg:$0x2] =	wrdreg s2  }
0xa9: {  	[dreg:$0x3] =	wrdreg s4  }
0xaa: {  	[dreg:$0x4] =	wrdreg $0xC0  }
0xab: {  	_ =	task [dreg:s6], $0x5FFFF  }
0xac: {  	[dreg:$0x1] =	wrdreg $0xFFFFFFFF  }
0xad: {  	[dreg:$0x0] =	wrdreg $0x60  }
0xae: {  	[dreg:$0x2] =	wrdreg s24  }
0xaf: {  	[dreg:$0x3] =	wrdreg $0x9  }
0xb0: {  	_ =	task.clear_ibuf [dreg:s6], $0x4FFFF;
	_ =	strace $0x90000046  }
0xb1: {  	s29 =	simm.s32 $0x9;
	_ =	strace $0x80000048  }
0xb2: {  	_ =	swait.ge [sflag:s29], $0x1  }
0xb3: {  	[sflag:s29] =	ssyncadd.s32 $0xFFFFFFFF  }
0xb4: {  	_ =	strace $0x90000048  }
0xb5: {  	_ =	sfence  }
0xb6: {  	s30 =	sld [smem:$0x0];
	_ =	sdelay $0x2  }
0xb7: {  	s31 =	sshll.u32 s1, $0xD;
	s1 =	sshrl.u32 s1, $0x2  }
0xb8: {  	s3 =	sand.u32 $0x4000, s31;
	s1 =	sadd.s32 s1, s30  }
0xb9: {  	s0 =	sor.u32 s3, s0;
	s1 =	sshll.u32 s1, $0x11  }
0xba: {  	s0 =	sor.u32 s1, s0  }
0xbb: {  	s0 =	sadd.s32 $0x8F2B, s0  }
0xbc: {  	[sflag:s0] =	ssyncadd.remote.s32 $0x1  }
0xbd: {  	_ =	sfence.sel $0xFFFF  }
0xbe: {  	[dreg:$0x0] =	wrdreg $0xFFFFFFFF;
	(pc) =	sbr.abs _section_cstart, $3  }
0xbf: {  	[dreg:$0x1] =	wrdreg $0xFFFFFFFF  }
0xc0: {  	_ =	task.clear_ibuf [dreg:s6], $0x2FFFF;
	_ =	strace $0x9FFFFFFF  }
0xc1: {  	(tm) =	ssettm $0x7FFFFFFF  }
tec
execute0_lowered:
.L_overlay_start_1:
0x0: {  	(tag) =	ssettag $0x1  }
0x1: {  	s0 =	srdreg.scid;
	s5 =	stileid.u32;
	s6 =	simm.s32 $0x0  }
0x2: {  	s0 =	sand.u32 $0x1, s0;
	s2 =	sshll.u32 s5, $0x1;
	s5 =	smul.u32 $0xC800, s5  }
0x3: {  	s2 =	sor.u32 s0, s2;
	s3 =	ssub.s32 $0x2, s0;
	s0 =	smul.u32 $0x6400, s0  }
0x4: {  	[smem:$0x7FF] =	sst s6;
	s2 =	smul.u32 $0x6400, s2  }
0x5: {  	s1 =	rddreg [dreg:$0x0];
	v0 =	vimm.s32 $0xECA86420;
	_ =	strace $0x80000047;
	s4 =	sshrl.u32 s3, $0x1  }
0x6: {  	vm0 =	vcmask $0xB08;
	vm1 =	vcmask $0x1310;
	vm2 =	vcmask $0x1B18;
	s28 =	ssub.s32 s3, s4;
	s0 =	sadd.s32 s0, s5;
	s2 =	sshrl.u32 s2, $0x3  }
0x7: {  	vm3 =	vcmask $0x300;
	vm4 =	vcmask $0x2320;
	vm5 =	vcmask $0x2B28;
	s31 =	smax.u32 s28, $0x1;
	[dreg:$0xc] =	wrdreg s0;
	s1 =	sadd.s32 s2, s1  }
0x8: {  	vm6 =	vcmask $0x3330;
	vm7 =	vcmask $0x3B38;
	v1 =	vlaneseq.u32;
	[dreg:$0xb] =	wrdreg s31;
	s29 =	sadd.s32 $0xC00, s1  }
0x9: {  	vm8 =	vmmov $0xff;
	vm11 =	vcmask $0x1714;
	v0 =	vunpack.c.l.s4.s8 v0;
	s30 =	sadd.s32 $0x19C00, s1;
	[dreg:$0x8] =	wrdreg s29  }
0xa: {  	vm12 =	vcmask $0x1F1C;
	vm13 =	vcmask $0x2724;
	vm14 =	vcmask $0x2F2C;
	s1 =	sadd.s32 $0x32C00, s1;
	[dreg:$0x9] =	wrdreg s30  }
0xb: {  	vm15 =	vcmask $0x3734;
	v2 =	vmul.u32 $0x2, v1;
	v0 =	vunpack.c.0.s8.s32 v0;
	s2 =	simm.s32 $0x0;
	[dreg:$0xa] =	wrdreg s1;
	s1 =	simm.s32 $0x1  }
.LBB2_1:
0xc: {  	[dreg:$0xd] =	wrdreg s2  }
0xd: {  	s0 =	rddreg [dreg:$0x8]  }
0xe: {  	[tilespmem:s6], [sflag:$0x1] =	stream.linear.gather [hbm4b:s0+s6], $0x6400, $0x38;
	[tilespmem:$0x12C00] =	vst v63  }
0xf: {  	_ =	swait.ge [sflag:s1], $0x6400  }
0x10: {  	[sflag:s1] =	ssyncset.done $0x0  }
0x11: {  	s17 =	simm.s32 $0x6400;
	s16 =	rddreg [dreg:$0x9];
	[sflag:s1] =	ssyncadd.s32 $0xFFFF9C00  }
0x12: {  	[tilespmem:s17], [sflag:$0x1] =	stream.linear.gather [hbm4b:s16+s6], $0x6400, $0x38;
	[tilespmem:$0x12C00] =	vst v63  }
0x13: {  	_ =	swait.ge [sflag:s1], $0x6400  }
0x14: {  	[sflag:s1] =	ssyncset.done $0x0  }
0x15: {  	s18 =	simm.s32 $0x0;
	[sflag:s1] =	ssyncadd.s32 $0xFFFF9C00  }
0x16: {  	v3 =	vld [tilespmem:s18+$0x0]  }
0x17: {  	v4 =	vld [tilespmem:s18+$0x6400];
	_ =	sdelay $0x4  }
0x18: {  	v3 =	vmul.u32 $0x8DD9, v3;
	v4 =	vmul.u32 $0x6A37, v4;
	_ =	sdelay $0x1  }
0x19: {  	v3 =	vxor.u32 v3, v4  }
0x1a: {  	(v2sf) =	vpush v3, $0x0  }
0x1b: {  	(v2sf) =	vpush v3, $0x7;
	_ =	sdelay $0x1  }
0x1c: {  	(v2sf) =	vpush v3, $0x1;
	_ =	sdelay $0x1  }
0x1d: {  	(v2sf) =	vpush v3, $0x2;
	_ =	sdelay $0x1  }
0x1e: {  	(v2sf) =	vpush v3, $0x3  }
0x1f: {  	(v2sf) =	vpush v3, $0x4;
	_ =	sdelay $0x1  }
0x20: {  	(v2sf) =	vpush v3, $0xC  }
0x21: {  	(v2sf) =	vpush v3, $0x8;
	_ =	sdelay $0x1  }
0x22: {  	(v2sf) =	vpush v3, $0x9  }
0x23: {  	(v2sf) =	vpush v3, $0xD  }
0x24: {  	s20 =	spop (v2sf)  }
0x25: {  	s5 =	smulhi.u32 $0x431BE2E9, s20;
	s21 =	spop (v2sf)  }
0x26: {  	(v2sf) =	vpush v3, $0xA;
	s1 =	sshra.s32 s20, $0x1F;
	s9 =	smulhi.u32 $0x431BE2E9, s21  }
0x27: {  	s23 =	spop (v2sf);
	s1 =	smul.u32 $0x431BE2E9, s1  }
0x28: {  	(v2sf) =	vpush v3, $0xB;
	s11 =	sshra.s32 s21, $0x1F;
	s4 =	smulhi.u32 $0x431BE2E9, s23  }
0x29: {  	s19 =	simm.s32 $0x0;
	s3 =	spop (v2sf);
	s11 =	smul.u32 $0x431BE2E9, s11  }
0x2a: {  	[dreg:$0x2] =	wrdreg s19;
	s24 =	sshra.s32 s23, $0x1F;
	s0 =	smulhi.u32 $0x431BE2E9, s3  }
0x2b: {  	s22 =	simm.s32 $0x80;
	s7 =	spop (v2sf);
	s10 =	smul.u32 $0x431BE2E9, s24  }
0x2c: {  	s19 =	sshra.s32 s3, $0x1F;
	s8 =	spop (v2sf);
	s16 =	smulhi.u32 $0x431BE2E9, s7  }
0x2d: {  	(v2sf) =	vpush v3, $0xE;
	s1 =	sadd.s32 s1, s5;
	s13 =	sshra.s32 s8, $0x1F;
	s17 =	smulhi.u32 $0x431BE2E9, s8  }
0x2e: {  	s21 =	sshra.s32 s7, $0x1F;
	s25 =	spop (v2sf);
	s2 =	smul.u32 $0x431BE2E9, s13  }
0x2f: {  	s4 =	sadd.s32 s10, s4;
	s15 =	spop (v2sf);
	s6 =	smulhi.u32 $0x431BE2E9, s25  }
0x30: {  	s8 =	sshra.s32 s25, $0x1F;
	s25 =	sshra.s32 s4, $0x1F;
	s28 =	smulhi.u32 $0x431BE2E9, s15  }
0x31: {  	s29 =	sshra.s32 s4, $0x12;
	s26 =	spop (v2sf);
	s8 =	smul.u32 $0x431BE2E9, s8  }
0x32: {  	s24 =	sshra.s32 s15, $0x1F;
	s20 =	smulhi.u32 $0x431BE2E9, s26;
	s12 =	spop (v2sf)  }
0x33: {  	s13 =	sshra.s32 s26, $0x1F;
	s7 =	smulhi.u32 $0x431BE2E9, s12;
	s3 =	sshra.s32 s12, $0x1F  }
0x34: {  	(v2sf) =	vpush v3, $0xF;
	s17 =	sadd.s32 s2, s17;
	s12 =	rddreg [dreg:$0xc];
	s23 =	smul.u32 $0x431BE2E9, s3  }
0x35: {  	(v2sf) =	vpush v3, $0x5;
	s10 =	smul.u32 $0x431BE2E9, s13;
	s26 =	spop (v2sf);
	s14 =	sadd.s32 $0x10, s12  }
0x36: {  	s3 =	sshrl.u32 s4, $0x1F;
	s4 =	sadd.s32 s23, s7;
	s23 =	smul.u32 $0x431BE2E9, s21  }
0x37: {  	s2 =	sadd.s32 s10, s20;
	s10 =	simm.s32 $0x10;
	s18 =	spop (v2sf)  }
0x38: {  	s5 =	sadd.s32 s23, s16;
	s16 =	smul.u32 $0x431BE2E9, s24;
	s15 =	sshra.s32 s18, $0x1F  }
0x39: {  	(v2sf) =	vpush v3, $0x6;
	s7 =	sshra.s32 s26, $0x1F;
	v4 =	vld [tilespmem:s10+$0x0];
	s21 =	smul.u32 $0x431BE2E9, s15;
	s15 =	simm.s32 $0x10  }
0x3a: {  	v5 =	vld [tilespmem:s10+$0x6400];
	s10 =	sshrl.u32 s4, $0x1F;
	s20 =	smulhi.u32 $0x431BE2E9, s18;
	[dreg:$0x3] =	wrdreg s15  }
0x3b: {  	s15 =	sadd.s32 s11, s9;
	s11 =	smul.u32 $0x431BE2E9, s19;
	s19 =	sshrl.u32 s1, $0x1F  }
0x3c: {  	s18 =	spop (v2sf);
	s9 =	sshra.s32 s15, $0x1F;
	s23 =	sadd.s32 s21, s20  }
0x3d: {  	vm9 =	vcmask $0x704;
	v7 =	vor.u32 s12, v1;
	s20 =	sshrl.u32 s5, $0x1F;
	s30 =	smulhi.u32 $0x431BE2E9, s18;
	s13 =	sshra.s32 s18, $0x1F  }
0x3e: {  	v7 =	vmul.u32 $0xC28F5C29, v7;
	v6 =	vmov s9;
	s9 =	smulhi.u32 $0x431BE2E9, s26;
	s18 =	sshra.s32 s1, $0x12;
	s1 =	sshra.s32 s1, $0x1F  }
0x3f: {  	v4 =	vmul.u32 $0x8DD9, v4;
	v5 =	vmul.u32 $0x6A37, v5;
	s26 =	sshrl.u32 s17, $0x1F;
	s12 =	sadd.s32 s11, s0;
	s11 =	sadd.s32 s16, s28;
	v6 =	vsel vm3, s18, v6  }
0x40: {  	v10 =	vshll.u32 v7, $0x1D;
	v7 =	vshrl.u32 v7, $0x3;
	s28 =	sadd.s32 s8, s6;
	s24 =	sshrl.u32 s23, $0x1F;
	s21 =	smul.u32 $0x431BE2E9, s13;
	v6 =	vsel vm9, s1, v6  }
0x41: {  	v8 =	vmov s19;
	[dreg:$0x4] =	wrdreg s26;
	s13 =	sshra.s32 s17, $0x12;
	s18 =	sshra.s32 s17, $0x1F;
	v9 =	vsel vm0, s29, v6;
	v6 =	vxor.u32 v4, v5  }
0x42: {  	s6 =	sshra.s32 s12, $0x12;
	s16 =	sshrl.u32 s28, $0x1F;
	[dreg:$0x7] =	wrdreg s13;
	vm9 =	vcmask $0xF0C;
	v4 =	vor.u32 s14, v1;
	(v2sf) =	vpush v6, $0x0  }
0x43: {  	s17 =	sshra.s32 s5, $0x12;
	s1 =	spop (v2sf);
	[dreg:$0x5] =	wrdreg s18;
	v5 =	vsel vm9, s25, v9;
	v11 =	vmul.u32 $0xC28F5C29, v4;
	(v2sf) =	vpush v6, $0x7  }
0x44: {  	s13 =	sshra.s32 s12, $0x1F;
	s18 =	smul.u32 $0x431BE2E9, s7;
	s19 =	spop (v2sf);
	v4 =	vnsel vm3, $0x0, v8;
	v5 =	vsel vm1, s6, v5;
	(v2sf) =	vpush v6, $0x1  }
0x45: {  	s31 =	sadd.s32 s21, s30;
	s26 =	smulhi.u32 $0x431BE2E9, s1;
	s21 =	sshrl.u32 s2, $0x1F;
	v8 =	vsel vm0, s3, v4;
	v4 =	vsel vm11, s13, v5;
	(v2sf) =	vpush v6, $0x2  }
0x46: {  	s30 =	sshra.s32 s2, $0x12;
	s29 =	smulhi.u32 $0x431BE2E9, s19;
	s8 =	sshra.s32 s19, $0x1F;
	v5 =	vmov s16;
	v9 =	vsel vm2, s17, v4;
	(v2sf) =	vpush v6, $0x3  }
0x47: {  	s25 =	sshra.s32 s4, $0x12;
	s19 =	sshrl.u32 s12, $0x1F;
	s9 =	sadd.s32 s18, s9;
	v4 =	vor.u32 v10, v7;
	v7 =	vsel vm0, s10, v5;
	(v2sf) =	vpush v6, $0x4  }
0x48: {  	s4 =	sshra.s32 s11, $0x12;
	s0 =	smul.u32 $0x431BE2E9, s8;
	s6 =	spop (v2sf);
	v5 =	vshll.u32 v11, $0x1D;
	v10 =	vshrl.u32 v11, $0x3;
	(v2sf) =	vpush v6, $0xC  }
0x49: {  	s3 =	sshra.s32 s5, $0x1F;
	s5 =	sshrl.u32 s11, $0x1F;
	v8 =	vsel vm1, s19, v8;
	s10 =	smulhi.u32 $0x431BE2E9, s6;
	v5 =	vor.u32 v5, v10;
	(v2sf) =	vpush v6, $0x8  }
.LBB2_2:
0x4a: {  	s2 =	sshra.s32 s1, $0x1F  }
0x4b: {  	s6 =	sshra.s32 s6, $0x1F;
	s8 =	sshra.s32 s28, $0x12;
	s11 =	rddreg [dreg:$0x2]  }
0x4c: {  	s1 =	smov.u32 s22;
	s7 =	rddreg [dreg:$0x3];
	s13 =	sadd.s32 $0x40, s22  }
0x4d: {  	v9 =	vsel vm12, s3, v9;
	s3 =	sshra.s32 s9, $0x12;
	s16 =	rddreg [dreg:$0x7];
	s17 =	sshrl.u32 s31, $0x1F  }
0x4e: {  	s0 =	sadd.s32 s0, s29;
	s19 =	sshra.s32 s31, $0x12;
	s28 =	smov.u32 s11  }
0x4f: {  	s12 =	smov.u32 s7;
	[dreg:$0x6] =	wrdreg s13;
	s2 =	smul.u32 $0x431BE2E9, s2  }
0x50: {  	v10 =	vmov s5;
	(v2sf) =	vpush v6, $0x9;
	s5 =	smul.u32 $0x431BE2E9, s6;
	v12 =	vmov s8;
	s18 =	sshrl.u32 s0, $0x1F;
	s8 =	rddreg [dreg:$0x5]  }
0x51: {  	v7 =	vsel vm1, s17, v7;
	s11 =	sshrl.u32 s15, $0x1F;
	s17 =	sshra.s32 s23, $0x12;
	s13 =	rddreg [dreg:$0x4]  }
0x52: {  	(v2sf) =	vpush v6, $0xD;
	v10 =	vsel vm0, s21, v10;
	s21 =	sshra.s32 s15, $0x12;
	[dreg:$0x2] =	wrdreg s12;
	v12 =	vsel vm0, s25, v12;
	s25 =	sshra.s32 s0, $0x12  }
0x53: {  	v11 =	vmov s4;
	v8 =	vsel vm2, s20, v8;
	s0 =	sshra.s32 s0, $0x1F;
	s12 =	sshrl.u32 s9, $0x1F;
	s20 =	spop (v2sf)  }
0x54: {  	v11 =	vsel vm0, s30, v11;
	s2 =	sadd.s32 s2, s26;
	v10 =	vsel vm1, s12, v10;
	s4 =	smulhi.u32 $0x431BE2E9, s20;
	s23 =	spop (v2sf)  }
0x55: {  	v11 =	vsel vm1, s3, v11;
	s5 =	sadd.s32 s5, s10;
	v10 =	vsel vm2, s24, v10;
	s24 =	spop (v2sf);
	s3 =	smulhi.u32 $0x431BE2E9, s23  }
0x56: {  	v9 =	vsel vm4, s16, v9;
	v8 =	vsel vm4, s13, v8;
	s16 =	sshrl.u32 s2, $0x1F;
	s15 =	sshra.s32 s23, $0x1F;
	s10 =	smulhi.u32 $0x431BE2E9, s24  }
0x57: {  	(v2sf) =	vpush v6, $0xA;
	v8 =	vsel vm5, s18, v8;
	s18 =	sshrl.u32 s5, $0x1F;
	s9 =	spop (v2sf);
	s15 =	smul.u32 $0x431BE2E9, s15  }
0x58: {  	v9 =	vsel vm13, s8, v9;
	v12 =	vsel vm1, s19, v12;
	s19 =	sshra.s32 s5, $0x12;
	v8 =	vsel vm6, s18, v8;
	s26 =	sshra.s32 s24, $0x1F;
	s24 =	smulhi.u32 $0x431BE2E9, s9  }
0x59: {  	v9 =	vsel vm5, s25, v9;
	s25 =	sshra.s32 s5, $0x1F;
	v8 =	vsel vm7, s11, v8;
	s11 =	spop (v2sf);
	s5 =	smul.u32 $0x431BE2E9, s26  }
0x5a: {  	(v2sf) =	vpush v6, $0xB;
	s13 =	sshra.s32 s20, $0x1F;
	s12 =	spop (v2sf);
	s20 =	smulhi.u32 $0x431BE2E9, s11  }
0x5b: {  	v11 =	vsel vm2, s17, v11;
	s2 =	sshra.s32 s2, $0x12;
	v9 =	vsel vm14, s0, v9;
	s6 =	sshra.s32 s11, $0x1F;
	s8 =	smulhi.u32 $0x431BE2E9, s12  }
0x5c: {  	p0 =	sne.s32 s22, $0x18FC0;
	v7 =	vsel vm2, s16, v7;
	v12 =	vsel vm2, s2, v12;
	v9 =	vsel vm6, s19, v9;
	s16 =	sshra.s32 s12, $0x1F;
	s6 =	smul.u32 $0x431BE2E9, s6  }
0x5d: {  	v11 =	vcombine.low v11, v12;
	v9 =	vsel vm15, s25, v9;
	s17 =	sshra.s32 s9, $0x1F;
	s18 =	spop (v2sf);
	s16 =	smul.u32 $0x431BE2E9, s16  }
0x5e: {  	v7 =	vcombine.low v10, v7;
	v9 =	vsel vm7, s21, v9;
	s23 =	spop (v2sf);
	s9 =	sshra.s32 s18, $0x1F;
	s22 =	smulhi.u32 $0x431BE2E9, s18  }
0x5f: {  	v8 =	vperm.xlane v8, v2;
	v10 =	vperm.xlane v11, v0;
	(v2sf) =	vpush v6, $0xE;
	s25 =	spop (v2sf);
	s9 =	smul.u32 $0x431BE2E9, s9  }
0x60: {  	s14 =	sadd.s32 $0x10, s14;
	v7 =	vperm.xlane v7, v0;
	v9 =	vperm.xlane v9, v2;
	s19 =	smulhi.u32 $0x431BE2E9, s25  }
0x61: {  	(v2sf) =	vpush v6, $0xF;
	s26 =	spop (v2sf);
	s8 =	sadd.s32 s16, s8;
	s16 =	smul.u32 $0x431BE2E9, s17  }
0x62: {  	v7 =	vsel vm8, v8, v7;
	v8 =	vsel vm8, v9, v10;
	s2 =	sadd.s32 s5, s10;
	(v2sf) =	vpush v6, $0x5;
	s5 =	sshra.s32 s25, $0x1F;
	s21 =	smulhi.u32 $0x431BE2E9, s26  }
0x63: {  	v7 =	vadd.s32 v7, v8;
	s15 =	sadd.s32 s15, s3;
	s31 =	sshra.s32 s2, $0x1F;
	(v2sf) =	vpush v6, $0x6;
	s18 =	smul.u32 $0x431BE2E9, s5  }
0x64: {  	v7 =	vmul.u32 $0xF423F, v7;
	s0 =	sshra.s32 s23, $0x1F;
	s10 =	sshra.s32 s26, $0x1F;
	s26 =	smul.u32 $0x431BE2E9, s13  }
0x65: {  	s3 =	sadd.s32 s6, s20;
	s5 =	sshra.s32 s2, $0x12;
	s12 =	smul.u32 $0x431BE2E9, s10  }
0x66: {  	vm9 =	vle.u32 v4, $0x147AE14;
	v8 =	vor.u32 s14, v1;
	v7 =	vsub.s32 v3, v7;
	s25 =	spop (v2sf);
	s10 =	sshrl.u32 s2, $0x1F;
	s2 =	smulhi.u32 $0x431BE2E9, s23  }
0x67: {  	v4 =	vmovc v5;
	v3 =	vmovc v6;
	vm10 =	vlt.s32 v7, $0x0;
	v5 =	vadd.s32 $0xF423F, v7;
	v6 =	vmul.u32 $0xC28F5C29, v8;
	s7 =	sshra.s32 s25, $0x1F;
	s30 =	sadd.s32 s18, s19;
	s18 =	sshra.s32 s1, $0x2  }
0x68: {  	v5 =	vsel vm10, v5, v7;
	s20 =	sshrl.u32 s3, $0x1F;
	s7 =	smul.u32 $0x431BE2E9, s7;
	v9 =	vld [tilespmem:s18+$0x0];
	s11 =	sadd.s32 s12, s21  }
0x69: {  	v7 =	vsel vm9, $0xF423F, v5;
	v5 =	vshll.u32 v6, $0x1D;
	v6 =	vshrl.u32 v6, $0x3;
	[dreg:$0x3] =	wrdreg s18;
	v10 =	vld [tilespmem:s18+$0x6400];
	s18 =	sshrl.u32 s8, $0x1F;
	s13 =	spop (v2sf)  }
0x6a: {  	v5 =	vor.u32 v5, v6;
	v6 =	vshll.u32 v7, $0x2;
	[dreg:$0x4] =	wrdreg s18;
	s23 =	smulhi.u32 $0x431BE2E9, s13;
	s19 =	sshra.s32 s13, $0x1F  }
0x6b: {  	v8 =	vand.u32 $0xFFFF8000, v7;
	v7 =	vshrl.u32 v7, $0xD;
	v6 =	vand.u32 $0x7FFC, v6;
	s13 =	sadd.s32 s26, s4;
	s4 =	sshrl.u32 s11, $0x1F;
	s26 =	sshra.s32 s8, $0x12  }
0x6c: {  	v7 =	vand.u32 $0x3, v7;
	v6 =	vor.u32 v8, v6;
	s8 =	sshra.s32 s8, $0x1F;
	s12 =	smul.u32 $0x431BE2E9, s19;
	[dreg:$0x7] =	wrdreg s26  }
0x6d: {  	v6 =	vor.u32 v7, v6;
	s21 =	sshrl.u32 s13, $0x1F;
	[dreg:$0x5] =	wrdreg s8;
	s8 =	smulhi.u32 $0x431BE2E9, s25  }
0x6e: {  	[tilespmem:s28+$0xC800] =	vst v6;
	s28 =	sshra.s32 s13, $0x12;
	s13 =	sshra.s32 s13, $0x1F;
	s19 =	spop (v2sf)  }
0x6f: {  	v7 =	vmov s21;
	v6 =	vmul.u32 $0x8DD9, v9;
	v8 =	vmul.u32 $0x6A37, v10;
	s21 =	sshrl.u32 s30, $0x1F;
	s30 =	sshra.s32 s30, $0x12;
	s18 =	smulhi.u32 $0x431BE2E9, s19  }
0x70: {  	s17 =	sshra.s32 s19, $0x1F;
	s19 =	sshra.s32 s15, $0x1F;
	s1 =	spop (v2sf)  }
0x71: {  	s23 =	sadd.s32 s12, s23;
	v6 =	vxor.u32 v6, v8;
	s17 =	smul.u32 $0x431BE2E9, s17;
	v8 =	vmov s19;
	s25 =	spop (v2sf)  }
0x72: {  	vm9 =	vcmask $0x704;
	s19 =	smul.u32 $0x431BE2E9, s0;
	v8 =	vsel vm3, s28, v8;
	s28 =	sadd.s32 s9, s22;
	s6 =	spop (v2sf);
	(v2sf) =	vpush v6, $0x0  }
0x73: {  	s22 =	sshra.s32 s3, $0x12;
	s3 =	sshra.s32 s3, $0x1F;
	s26 =	smulhi.u32 $0x431BE2E9, s1;
	v8 =	vsel vm9, s13, v8;
	(v2sf) =	vpush v6, $0x7  }
0x74: {  	s13 =	sadd.s32 s16, s24;
	s2 =	sadd.s32 s19, s2;
	vm9 =	vcmask $0xF0C;
	s9 =	sshrl.u32 s28, $0x1F;
	v8 =	vsel vm0, s5, v8;
	(v2sf) =	vpush v6, $0x1  }
.Ltmp0:
0x75: {  	s24 =	sshrl.u32 s23, $0x1F;
	s16 =	sshra.s32 s13, $0x12;
	v8 =	vsel vm9, s31, v8;
	(v2sf) =	vpush v6, $0x2;
	(pc) =	sbr.rel @p0 .LBB2_2-.Ltmp0, $4  }
0x76: {  	v7 =	vnsel vm3, $0x0, v7;
	s29 =	smulhi.u32 $0x431BE2E9, s25;
	s25 =	sshra.s32 s25, $0x1F;
	s19 =	sshra.s32 s13, $0x1F;
	v8 =	vsel vm1, s16, v8;
	(v2sf) =	vpush v6, $0x3  }
0x77: {  	v10 =	vsel vm0, s10, v7;
	s5 =	sshrl.u32 s2, $0x1F;
	s0 =	smul.u32 $0x431BE2E9, s25;
	s25 =	sshra.s32 s11, $0x12;
	v7 =	vsel vm11, s19, v8;
	(v2sf) =	vpush v6, $0x4  }
0x78: {  	s31 =	sadd.s32 s17, s18;
	s11 =	sshrl.u32 s13, $0x1F;
	s10 =	smulhi.u32 $0x431BE2E9, s6;
	v8 =	vmov s9;
	v9 =	vsel vm2, s22, v7;
	(v2sf) =	vpush v6, $0xC  }
0x79: {  	s9 =	sadd.s32 s7, s8;
	v7 =	vsel vm0, s4, v8;
	v8 =	vsel vm1, s11, v10;
	s4 =	sshra.s32 s2, $0x12;
	s22 =	rddreg [dreg:$0x6];
	(v2sf) =	vpush v6, $0x8  }
0x7a: {  	_ = 	snop  }
0x7b: {  	(v2sf) =	vpush v6, $0x9  }
0x7c: {  	(v2sf) =	vpush v6, $0xD;
	_ =	sdelay $0x2  }
0x7d: {  	(v2sf) =	vpush v6, $0xA;
	_ =	sdelay $0x1  }
0x7e: {  	s6 =	sshra.s32 s6, $0x1F;
	v11 =	vmov s4;
	s4 =	rddreg [dreg:$0x7];
	s2 =	spop (v2sf)  }
0x7f: {  	s1 =	sshra.s32 s1, $0x1F;
	s18 =	smul.u32 $0x431BE2E9, s6;
	s7 =	spop (v2sf)  }
0x80: {  	s13 =	smul.u32 $0x431BE2E9, s1;
	s8 =	spop (v2sf)  }
0x81: {  	[dreg:$0x11] =	wrdreg s18;
	s11 =	spop (v2sf)  }
0x82: {  	(v2sf) =	vpush v6, $0xB;
	s14 =	sshra.s32 s8, $0x1F;
	s8 =	smulhi.u32 $0x431BE2E9, s8;
	s12 =	spop (v2sf)  }
0x83: {  	s22 =	smul.u32 $0x431BE2E9, s14;
	s19 =	spop (v2sf)  }
0x84: {  	(v2sf) =	vpush v6, $0xE;
	s16 =	spop (v2sf);
	s18 =	sshra.s32 s19, $0x1F;
	s14 =	smulhi.u32 $0x431BE2E9, s19  }
0x85: {  	[dreg:$0x12] =	wrdreg s22;
	s18 =	smul.u32 $0x431BE2E9, s18  }
0x86: {  	s17 =	spop (v2sf);
	[dreg:$0x13] =	wrdreg s14  }
0x87: {  	s6 =	spop (v2sf);
	[dreg:$0x15] =	wrdreg s18  }
0x88: {  	s0 =	sadd.s32 s0, s29;
	s22 =	spop (v2sf);
	s18 =	smulhi.u32 $0x431BE2E9, s6  }
0x89: {  	s19 =	smulhi.u32 $0x431BE2E9, s22;
	s22 =	sshra.s32 s22, $0x1F;
	s29 =	rddreg [dreg:$0x15]  }
0x8a: {  	s14 =	smul.u32 $0x431BE2E9, s22;
	[dreg:$0x19] =	wrdreg s18  }
0x8b: {  	s6 =	sshra.s32 s6, $0x1F;
	s22 =	spop (v2sf);
	[dreg:$0x14] =	wrdreg s19  }
0x8c: {  	s18 =	smul.u32 $0x431BE2E9, s6;
	[dreg:$0x10] =	wrdreg s22  }
0x8d: {  	s19 =	smulhi.u32 $0x431BE2E9, s2;
	[dreg:$0x18] =	wrdreg s14  }
0x8e: {  	v11 =	vsel vm0, s30, v11;
	s2 =	sshra.s32 s2, $0x1F;
	s22 =	smulhi.u32 $0x431BE2E9, s7;
	s30 =	rddreg [dreg:$0x10]  }
0x8f: {  	s6 =	smul.u32 $0x431BE2E9, s2;
	[dreg:$0x17] =	wrdreg s19  }
0x90: {  	s2 =	smulhi.u32 $0x431BE2E9, s11;
	[dreg:$0x1c] =	wrdreg s22  }
0x91: {  	s26 =	sadd.s32 s13, s26;
	[dreg:$0x1b] =	wrdreg s6;
	s14 =	spop (v2sf)  }
0x92: {  	s11 =	sshra.s32 s11, $0x1F;
	[dreg:$0x1d] =	wrdreg s2;
	s19 =	smulhi.u32 $0x431BE2E9, s14  }
0x93: {  	s1 =	sshra.s32 s14, $0x1F;
	s14 =	smul.u32 $0x431BE2E9, s11;
	s6 =	spop (v2sf)  }
0x94: {  	s13 =	smulhi.u32 $0x431BE2E9, s6;
	s11 =	sshra.s32 s6, $0x1F;
	s6 =	rddreg [dreg:$0x19]  }
0x95: {  	s7 =	sshra.s32 s7, $0x1F;
	s1 =	smul.u32 $0x431BE2E9, s1;
	[dreg:$0x16] =	wrdreg s19  }
0x96: {  	s19 =	smul.u32 $0x431BE2E9, s7;
	s7 =	rddreg [dreg:$0x11]  }
0x97: {  	s22 =	smulhi.u32 $0x431BE2E9, s12;
	[dreg:$0x1a] =	wrdreg s1  }
0x98: {  	s2 =	sadd.s32 s7, s10;
	s10 =	rddreg [dreg:$0x12];
	s1 =	sadd.s32 s18, s6  }
0x99: {  	s7 =	sadd.s32 s10, s8;
	s8 =	smul.u32 $0x431BE2E9, s11;
	s11 =	rddreg [dreg:$0x13]  }
0x9a: {  	v8 =	vsel vm2, s20, v8;
	s12 =	sshra.s32 s12, $0x1F;
	s20 =	smulhi.u32 $0x431BE2E9, s30;
	[dreg:$0xf] =	wrdreg s1  }
0x9b: {  	v10 =	vmov s5;
	s5 =	sshra.s32 s26, $0x12;
	s12 =	smul.u32 $0x431BE2E9, s12;
	s10 =	rddreg [dreg:$0x14]  }
0x9c: {  	s6 =	smulhi.u32 $0x431BE2E9, s16;
	s16 =	sshra.s32 s16, $0x1F;
	s1 =	rddreg [dreg:$0x17]  }
0x9d: {  	(v2sf) =	vpush v6, $0xF;
	s12 =	sadd.s32 s12, s22;
	s22 =	smul.u32 $0x431BE2E9, s16;
	s16 =	rddreg [dreg:$0x16]  }
0x9e: {  	(v2sf) =	vpush v6, $0x5;
	s18 =	smulhi.u32 $0x431BE2E9, s17;
	s29 =	sadd.s32 s29, s11;
	s11 =	rddreg [dreg:$0x18]  }
0x9f: {  	s17 =	sshra.s32 s17, $0x1F;
	s10 =	sadd.s32 s11, s10;
	s11 =	rddreg [dreg:$0x1b]  }
0xa0: {  	v9 =	vsel vm12, s3, v9;
	s11 =	sadd.s32 s11, s1;
	s1 =	smul.u32 $0x431BE2E9, s17;
	s17 =	rddreg [dreg:$0x1c]  }
0xa1: {  	v9 =	vsel vm4, s4, v9;
	s4 =	sshrl.u32 s2, $0x1F;
	s19 =	sadd.s32 s19, s17;
	s17 =	rddreg [dreg:$0x1a]  }
0xa2: {  	s16 =	sadd.s32 s17, s16;
	s17 =	rddreg [dreg:$0x1d];
	s18 =	sadd.s32 s1, s18  }
0xa3: {  	s1 =	sshra.s32 s0, $0x1F;
	[dreg:$0xe] =	wrdreg s16;
	s17 =	sadd.s32 s14, s17  }
0xa4: {  	s14 =	sadd.s32 s22, s6;
	s16 =	sadd.s32 s8, s13;
	s6 =	sshra.s32 s28, $0x12  }
0xa5: {  	(v2sf) =	vpush v6, $0x6;
	s8 =	sshrl.u32 s31, $0x1F;
	s13 =	sshra.s32 s31, $0x12;
	s22 =	sshra.s32 s23, $0x12  }
0xa6: {  	vm9 =	vcmask $0x704;
	s23 =	sshrl.u32 s0, $0x1F;
	s28 =	sshra.s32 s0, $0x12;
	s31 =	sshra.s32 s9, $0x12  }
0xa7: {  	v10 =	vsel vm0, s21, v10;
	s9 =	sshrl.u32 s9, $0x1F;
	s0 =	sshrl.u32 s26, $0x1F;
	s26 =	sshrl.u32 s15, $0x1F;
	v12 =	vmov s6;
	v7 =	vsel vm1, s8, v7  }
0xa8: {  	s15 =	sshra.s32 s15, $0x12;
	v10 =	vsel vm1, s9, v10;
	s9 =	sshra.s32 s30, $0x1F;
	s30 =	sshra.s32 s19, $0x1F;
	v11 =	vsel vm1, s31, v11;
	v12 =	vsel vm0, s25, v12  }
0xa9: {  	s6 =	sshra.s32 s2, $0x12;
	s2 =	sshra.s32 s2, $0x1F;
	s25 =	rddreg [dreg:$0x5];
	v7 =	vsel vm2, s0, v7;
	v13 =	vmov s30;
	v10 =	vsel vm2, s24, v10  }
0xaa: {  	s8 =	sshrl.u32 s7, $0x1F;
	s30 =	sshra.s32 s11, $0x12;
	v11 =	vsel vm2, s22, v11;
	s22 =	sshrl.u32 s18, $0x1F;
	v9 =	vsel vm13, s25, v9;
	v12 =	vsel vm1, s13, v12  }
0xab: {  	s31 =	sshra.s32 s12, $0x12;
	s24 =	sshrl.u32 s10, $0x1F;
	v13 =	vsel vm3, s30, v13;
	s30 =	sshrl.u32 s14, $0x1F;
	v16 =	vmov s22;
	v7 =	vcombine.low v10, v7  }
0xac: {  	s25 =	sshra.s32 s7, $0x1F;
	s3 =	spop (v2sf);
	v9 =	vsel vm5, s28, v9;
	s28 =	rddreg [dreg:$0x4];
	v12 =	vsel vm2, s5, v12;
	v15 =	vmov s30  }
0xad: {  	s7 =	sshra.s32 s7, $0x12;
	s5 =	sshra.s32 s10, $0x12;
	s21 =	spop (v2sf);
	v8 =	vsel vm4, s28, v8;
	v9 =	vsel vm14, s1, v9;
	v15 =	vsel vm0, s24, v15  }
0xae: {  	s1 =	sshra.s32 s29, $0x1F;
	s10 =	smulhi.u32 $0x431BE2E9, s3;
	s24 =	sshra.s32 s18, $0x12;
	v11 =	vcombine.low v11, v12;
	v7 =	vperm.xlane v7, v0;
	v8 =	vsel vm5, s23, v8  }
0xaf: {  	s3 =	sshra.s32 s3, $0x1F;
	s13 =	smulhi.u32 $0x431BE2E9, s21;
	s23 =	sshra.s32 s11, $0x1F;
	v9 =	vsel vm6, s6, v9;
	v17 =	vmov s24;
	v8 =	vsel vm6, s4, v8  }
0xb0: {  	s28 =	sshra.s32 s21, $0x1F;
	s21 =	sshrl.u32 s11, $0x1F;
	s3 =	smul.u32 $0x431BE2E9, s3;
	v13 =	vsel vm9, s23, v13;
	vm9 =	vcmask $0xF0C;
	v9 =	vsel vm15, s2, v9  }
0xb1: {  	s11 =	sshra.s32 s29, $0x12;
	s4 =	sshrl.u32 s29, $0x1F;
	s0 =	smul.u32 $0x431BE2E9, s28;
	v14 =	vmov s21;
	v11 =	vperm.xlane v11, v0;
	v13 =	vsel vm0, s7, v13  }
0xb2: {  	s28 =	sshra.s32 s17, $0x12;
	s29 =	sshra.s32 s17, $0x1F;
	s17 =	sshrl.u32 s17, $0x1F;
	v8 =	vsel vm7, s26, v8;
	v9 =	vsel vm7, s15, v9;
	v14 =	vnsel vm3, $0x0, v14  }
0xb3: {  	s21 =	sshra.s32 s12, $0x1F;
	s26 =	smul.u32 $0x431BE2E9, s9;
	v13 =	vsel vm9, s25, v13;
	v14 =	vsel vm0, s8, v14;
	s25 =	sshra.s32 s14, $0x12;
	v8 =	vperm.xlane v8, v2  }
0xb4: {  	s7 =	sshrl.u32 s12, $0x1F;
	s9 =	spop (v2sf);
	s3 =	sadd.s32 s3, s10;
	v9 =	vperm.xlane v9, v2;
	v13 =	vsel vm1, s28, v13;
	v18 =	vmov s25  }
0xb5: {  	s10 =	sshra.s32 s16, $0x12;
	s6 =	sadd.s32 s26, s20;
	v14 =	vsel vm1, s17, v14;
	s26 =	rddreg [dreg:$0xf];
	v13 =	vsel vm11, s29, v13;
	v18 =	vsel vm0, s5, v18  }
0xb6: {  	s15 =	rddreg [dreg:$0xe];
	s28 =	sshra.s32 s26, $0x12;
	s30 =	sshrl.u32 s26, $0x1F;
	v14 =	vsel vm2, s7, v14;
	v7 =	vsel vm8, v8, v7;
	v53 =	vsel vm8, v9, v11  }
0xb7: {  	s0 =	sadd.s32 s0, s13;
	s13 =	sshrl.u32 s3, $0x1F;
	s20 =	smulhi.u32 $0x431BE2E9, s9;
	v13 =	vsel vm2, s31, v13;
	v17 =	vsel vm0, s28, v17;
	v16 =	vsel vm0, s30, v16  }
0xb8: {  	s29 =	sshra.s32 s9, $0x1F;
	s12 =	sshrl.u32 s6, $0x1F;
	s31 =	sshrl.u32 s16, $0x1F;
	v14 =	vsel vm4, s4, v14;
	v18 =	vsel vm1, s10, v18;
	v13 =	vsel vm12, s21, v13  }
0xb9: {  	s7 =	sshrl.u32 s0, $0x1F;
	s17 =	sshra.s32 s6, $0x12;
	s8 =	smul.u32 $0x431BE2E9, s29;
	v15 =	vsel vm1, s31, v15;
	v16 =	vsel vm1, s12, v16;
	v13 =	vsel vm4, s11, v13  }
0xba: {  	s18 =	sshra.s32 s3, $0x12;
	s9 =	sshra.s32 s0, $0x12;
	s0 =	sshra.s32 s0, $0x1F;
	v14 =	vsel vm5, s7, v14;
	v17 =	vsel vm1, s17, v17;
	v13 =	vsel vm13, s1, v13  }
0xbb: {  	s16 =	sshrl.u32 s15, $0x1F;
	v18 =	vsel vm2, s18, v18;
	s11 =	sadd.s32 s8, s20;
	v15 =	vsel vm2, s13, v15;
	s20 =	sshra.s32 s15, $0x12;
	v13 =	vsel vm5, s9, v13  }
0xbc: {  	v16 =	vsel vm2, s16, v16;
	s14 =	sshrl.u32 s11, $0x1F;
	v51 =	vsel vm2, s20, v17;
	s21 =	sshra.s32 s11, $0x12;
	v13 =	vsel vm14, s0, v13  }
0xbd: {  	s22 =	sshrl.u32 s19, $0x1F;
	v52 =	vcombine.low v16, v15;
	s23 =	sshra.s32 s11, $0x1F;
	v14 =	vsel vm6, s14, v14;
	v13 =	vsel vm6, s21, v13  }
0xbe: {  	s24 =	sshra.s32 s19, $0x12;
	v10 =	vcombine.low v51, v18;
	v14 =	vsel vm7, s22, v14;
	v13 =	vsel vm15, s23, v13  }
0xbf: {  	v12 =	vperm.xlane v52, v0;
	v14 =	vperm.xlane v14, v2;
	v13 =	vsel vm7, s24, v13  }
0xc0: {  	v7 =	vadd.s32 v7, v53;
	v10 =	vperm.xlane v10, v0;
	v13 =	vperm.xlane v13, v2  }
0xc1: {  	v7 =	vmul.u32 $0xF423F, v7  }
0xc2: {  	v54 =	vsel vm8, v14, v12;
	v55 =	vsel vm8, v13, v10  }
0xc3: {  	v3 =	vsub.s32 v3, v7;
	v8 =	vadd.s32 v54, v55  }
0xc4: {  	vm10 =	vlt.s32 v3, $0x0;
	v56 =	vadd.s32 $0xF423F, v3;
	v8 =	vmul.u32 $0xF423F, v8  }
0xc5: {  	vm9 =	vle.u32 v4, $0x147AE14;
	v3 =	vsel vm10, v56, v3  }
0xc6: {  	v3 =	vsel vm9, $0xF423F, v3;
	v57 =	vsub.s32 v6, v8  }
0xc7: {  	vm9 =	vle.u32 v5, $0x147AE14;
	vm10 =	vlt.s32 v57, $0x0;
	v58 =	vadd.s32 $0xF423F, v57  }
0xc8: {  	v59 =	vshll.u32 v3, $0x2;
	v60 =	vand.u32 $0xFFFF8000, v3;
	v4 =	vsel vm10, v58, v57  }
0xc9: {  	v3 =	vshrl.u32 v3, $0xD;
	v5 =	vand.u32 $0x7FFC, v59;
	v4 =	vsel vm9, $0xF423F, v4  }
0xca: {  	v3 =	vand.u32 $0x3, v3;
	v5 =	vor.u32 v60, v5;
	v61 =	vshll.u32 v4, $0x2  }
0xcb: {  	v62 =	vand.u32 $0xFFFF8000, v4;
	v4 =	vshrl.u32 v4, $0xD;
	v6 =	vand.u32 $0x7FFC, v61  }
0xcc: {  	s25 =	rddreg [dreg:$0x2];
	v3 =	vor.u32 v3, v5;
	v4 =	vand.u32 $0x3, v4;
	v63 =	vor.u32 v62, v6  }
0xcd: {  	s26 =	rddreg [dreg:$0x3];
	s6 =	simm.s32 $0x0;
	[tilespmem:s25+$0xC800] =	vst v3;
	v3 =	vor.u32 v4, v63  }
0xce: {  	s28 =	rddreg [dreg:$0xa];
	s29 =	simm.s32 $0xC800;
	s1 =	simm.s32 $0x1;
	[tilespmem:s26+$0xC800] =	vst v3  }
0xcf: {  	[hbm4b:s28+s6] =	stream.linear.scatter [tilespmem:s29], [sflag:$0x1], $0x6400, $0x38;
	[tilespmem:$0x12C00] =	vst v63  }
0xd0: {  	_ =	swait.ge [sflag:s1], $0x6400  }
0xd1: {  	s30 =	rddreg [dreg:$0xd]  }
0xd2: {  	s31 =	rddreg [dreg:$0xb];
	s2 =	sadd.s32 $0x1, s30  }
0xd3: {  	p0 =	sne.s32 s2, s31  }
.Ltmp1:
0xd4: {  	_ = 	snop;
	(pc) =	sbr.rel @p0 .LBB2_1-.Ltmp1, $3  }
0xd5: {  	_ =	sdelay $0x1  }
0xd6: {  	[sflag:s1] =	ssyncset.done $0x0  }
0xd7: {  	[sflag:s1] =	ssyncadd.s32 $0xFFFF9C00  }
0xd8: {  	_ =	sfence.sel $0x180000  }
0xd9: {  	[bflag:$0x0] =	sbarrier.arrive $0xFFFF  }
0xda: {  	_ =	strace $0x90000047  }
0xdb: {  	s0 =	stileid.u32;
	[bflag:$0x2] =	sbarrier.arrive $0xFFFF  }
0xdc: {  	p0 =	sne.s32 s0, $0x0;
	s0 =	rddreg [dreg:$0x1]  }
0xdd: {  	s0 =	sadd.s32 @!p0 $0x100000, s0  }
0xde: {  	[sflag:s0] =	ssyncadd.tile.s32 @!p0 $0x1;
	_ =	shalt  }
.Lfunc_end2:
_tile_overlayer_lowered:
.L_overlay_start_2:
0xdf: {  	(tag) =	ssettag $0x2  }
0xe0: {  	s0 =	rddreg [dreg:$0x0];
	s2 =	stileid.u32  }
0xe1: {  	s1 =	rddreg [dreg:$0x1];
	p0 =	sne.s32 s2, $0x0  }
0xe2: {  	s3 =	rddreg [dreg:$0x2];
	[bflag:$0x3] =	sbarrier.arrive $0xFFFF;
	s2 =	simm.s32 @!p0 $0x1C01  }
0xe3: {  	[timem:s3], [sflag:s2] =	dma.local @!p0 [hbm:s0], s1  }
0xe4: {  	s0 =	simm.s32 @!p0 $0x1  }
0xe5: {  	_ =	swait.ge @!p0 [sflag:s0], s1  }
0xe6: {  	s1 =	ssub.s32 @!p0 $0x0, s1;
	[sflag:s0] =	ssyncset.done @!p0 $0x0  }
0xe7: {  	[sflag:s0] =	ssyncadd.s32 @!p0 s1  }
0xe8: {  	[bflag:$0x3] =	sbarrier.arrive $0xFFFF  }
0xe9: {  	_ =	shalt  }

// kernel: kernel.9.cloned.1.call-start
scs
__scs_entry_jumppad:
0x0: {  	(pc) =	sbr.rel $0x88, $3  }
0x1: {  	(tag) =	ssettag $0x0;
	lr =	simm.s32 $0x1  }
0x2: {  	[smem:$0x3F9D] =	sst lr;
	_ =	strace $0xD0000000  }
0x3: {  	_ = 	snop  }
0x4: {  	_ = 	snop  }
0x5: {  	_ = 	snop  }
0x6: {  	_ = 	snop  }
0x7: {  	_ = 	snop  }
__scs_overlays_trampoline_lowered:
0x8: {  	[smem:$0x3FAC] =	sst s0  }
0x9: {  	[smem:$0x3FAD] =	sst s1  }
0xa: {  	[smem:$0x3FAE] =	sst s2  }
0xb: {  	[smem:$0x3FAF] =	sst s3  }
0xc: {  	[smem:$0x3FB0] =	sst s4  }
0xd: {  	[smem:$0x3FB1] =	sst s5  }
0xe: {  	[smem:$0x3FB2] =	sst s6  }
0xf: {  	[smem:$0x3FB3] =	sst s7  }
0x10: {  	[smem:$0x3FB4] =	sst s8  }
0x11: {  	[smem:$0x3FB5] =	sst s9;
	s0 =	simm.s32 @!p0 $0x0  }
0x12: {  	s1 =	sld [smem:$0x3F9B];
	s0 =	simm.s32 @p0 $0x1  }
0x13: {  	[smem:$0x3FB6] =	sst s0;
	s0 =	simm.s32 @!p1 $0x0  }
0x14: {  	s2 =	sld [smem:$0x3F9A];
	s0 =	simm.s32 @p1 $0x1  }
0x15: {  	[smem:$0x3FB7] =	sst s0;
	s0 =	simm.s32 @!p2 $0x0  }
0x16: {  	s3 =	sld [smem:$0x3FDB];
	s0 =	simm.s32 @p2 $0x1  }
0x17: {  	s4 =	simm.s32 $0x1BF5;
	[smem:$0x3FB9] =	sst s0  }
0x18: {  	s0 =	sld [smem:$0x3F9C];
	_ =	swait.ge [sflag:s4], $0x0  }
0x19: {  	s7 =	sld [smem:$0x3F9D]  }
0x1a: {  	s8 =	sadd.s32 $0xFFFFE003, lr  }
0x1b: {  	s9 =	sadd.s32 $0xFFFFFEF7, lr;
	s5 =	simm.s32 $0xFFFFFFFF;
	p2 =	slt.u32 s8, $0xFFFFF086  }
0x1c: {  	p1 =	slt.u32 s9, $0xF7A;
	s5 =	simm.s32 @!p2 $0x0  }
0x1d: {  	s5 =	simm.s32 @p1 $0x1;
	p0 =	seq.s32 s7, s2  }
0x1e: {  	s7 =	smul.u32 @!p0 $0xF7A, s2;
	p2 =	seq.s32 @!p0 s5, $0x0  }
0x1f: {  	s9 =	smul.u32 $0xF7A, s1;
	s8 =	simm.s32 @!p0 $0x1BF5;
	p2 =	por !p2, p0  }
0x20: {  	[sflag:s8] =	ssyncset.s32 @!p0 $0xFFFFF086;
	s6 =	sadd.s32 @!p0 s3, s7;
	s7 =	simm.s32 @!p0 $0x108  }
0x21: {  	s3 =	sadd.s32 s3, s9;
	s6 =	sadd.s32 @!p0 $0x88, s6;
	s7 =	simm.s32 @p2 $0x1082  }
0x22: {  	[simem:s7], [sflag:s8] =	dma.local @!p0 [hbm:s6], $0xF7A  }
0x23: {  	s9 =	sor.u32 $0xD0000000, s2;
	s6 =	simm.s32 $0x108;
	_ =	swait.ge @!p0 [sflag:s8], $0x0  }
0x24: {  	s3 =	sadd.s32 $0x88, s3;
	s6 =	simm.s32 @!p1 $0x1082;
	[sflag:s4] =	ssyncset.s32 $0xFFFFF086  }
0x25: {  	[simem:s6], [sflag:s4] =	dma.local [hbm:s3], $0xF7A  }
0x26: {  	[smem:$0x3F9D] =	sst s1;
	(tag) =	ssettag s2;
	_ =	strace s9  }
0x27: {  	s1 =	sld [smem:$0x3FAD]  }
0x28: {  	s2 =	sld [smem:$0x3FAE]  }
0x29: {  	s4 =	sld [smem:$0x3FB0]  }
0x2a: {  	p0 =	seq.s32 s5, $0x0;
	s5 =	sld [smem:$0x3FB1]  }
0x2b: {  	s6 =	sld [smem:$0x3FB2]  }
0x2c: {  	s7 =	sld [smem:$0x3FB3]  }
0x2d: {  	s3 =	simm.s32 $0x108;
	s8 =	sld [smem:$0x3FB4]  }
0x2e: {  	s3 =	simm.s32 @!p0 $0x1082;
	s9 =	sld [smem:$0x3FB5]  }
0x2f: {  	lr =	sadd.s32 s0, s3;
	s0 =	sld [smem:$0x3FAC]  }
0x30: {  	s3 =	sld [smem:$0x3FAF]  }
0x31: {  	[smem:$0x3FB8] =	sst s10  }
0x32: {  	s10 =	sld [smem:$0x3FB6];
	_ =	sdelay $0x3  }
0x33: {  	p0 =	seq.s32 s10, $0x1;
	s10 =	sld [smem:$0x3FB8];
	_ =	sdelay $0x3  }
0x34: {  	[smem:$0x3FB8] =	sst s10  }
0x35: {  	s10 =	sld [smem:$0x3FB7];
	_ =	sdelay $0x3  }
0x36: {  	p1 =	seq.s32 s10, $0x1;
	s10 =	sld [smem:$0x3FB8];
	_ =	sdelay $0x3  }
0x37: {  	[smem:$0x3FB8] =	sst s10  }
0x38: {  	s10 =	sld [smem:$0x3FB9]  }
0x39: {  	_ = 	snop;
	(pc) =	sbr.ind lr, $3  }
0x3a: {  	_ = 	snop  }
0x3b: {  	_ = 	snop  }
0x3c: {  	p2 =	seq.s32 s10, $0x1;
	s10 =	sld [smem:$0x3FB8]  }
0x3d: {  	_ =	shalt  }
0x3e: {  	_ =	shalt  }
0x3f: {  	_ =	shalt  }
0x40: {  	_ =	shalt  }
0x41: {  	_ =	shalt  }
0x42: {  	_ =	shalt  }
0x43: {  	_ =	shalt  }
0x44: {  	_ =	shalt  }
0x45: {  	_ =	shalt  }
0x46: {  	_ =	shalt  }
0x47: {  	_ =	shalt  }
0x48: {  	_ =	shalt  }
0x49: {  	_ =	shalt  }
0x4a: {  	_ =	shalt  }
0x4b: {  	_ =	shalt  }
0x4c: {  	_ =	shalt  }
0x4d: {  	_ =	shalt  }
0x4e: {  	_ =	shalt  }
0x4f: {  	_ =	shalt  }
0x50: {  	_ =	shalt  }
0x51: {  	_ =	shalt  }
0x52: {  	_ =	shalt  }
0x53: {  	_ =	shalt  }
0x54: {  	_ =	shalt  }
0x55: {  	_ =	shalt  }
0x56: {  	_ =	shalt  }
0x57: {  	_ =	shalt  }
0x58: {  	_ =	shalt  }
0x59: {  	_ =	shalt  }
0x5a: {  	_ =	shalt  }
0x5b: {  	_ =	shalt  }
0x5c: {  	_ =	shalt  }
0x5d: {  	_ =	shalt  }
0x5e: {  	_ =	shalt  }
0x5f: {  	_ =	shalt  }
0x60: {  	_ =	shalt  }
0x61: {  	_ =	shalt  }
0x62: {  	_ =	shalt  }
0x63: {  	_ =	shalt  }
0x64: {  	_ =	shalt  }
0x65: {  	_ =	shalt  }
0x66: {  	_ =	shalt  }
0x67: {  	_ =	shalt  }
0x68: {  	_ =	shalt  }
0x69: {  	_ =	shalt  }
0x6a: {  	_ =	shalt  }
0x6b: {  	_ =	shalt  }
0x6c: {  	_ =	shalt  }
0x6d: {  	_ =	shalt  }
0x6e: {  	_ =	shalt  }
0x6f: {  	_ =	shalt  }
0x70: {  	_ =	shalt  }
0x71: {  	_ =	shalt  }
0x72: {  	_ =	shalt  }
0x73: {  	_ =	shalt  }
0x74: {  	_ =	shalt  }
0x75: {  	_ =	shalt  }
0x76: {  	_ =	shalt  }
0x77: {  	_ =	shalt  }
0x78: {  	_ =	shalt  }
0x79: {  	_ =	shalt  }
0x7a: {  	_ =	shalt  }
0x7b: {  	_ =	shalt  }
0x7c: {  	_ =	shalt  }
0x7d: {  	_ =	shalt  }
0x7e: {  	_ =	shalt  }
0x7f: {  	_ =	shalt  }
0x80: {  	_ =	shalt  }
0x81: {  	_ =	shalt  }
0x82: {  	_ =	shalt  }
0x83: {  	_ =	shalt  }
0x84: {  	_ =	shalt  }
0x85: {  	_ =	shalt  }
0x86: {  	_ =	shalt  }
0x87: {  	_ =	shalt  }
.Lfunc_end0:
.L_simem_size_0:
called_computation.1_lowered:
.L_overlay_start_0:
0x88: {  	s2 =	sld [smem:$0x3FD9]  }
0x89: {  	s3 =	sld [smem:$0x3FFE];
	_ =	sdelay $0x1  }
0x8a: {  	s1 =	srdreg.scid  }
0x8b: {  	s0 =	sand.u32 $0x1, s1  }
0x8c: {  	s17 =	sshll.u32 s0, $0xA;
	s2 =	sadd.s32 s3, s2  }
0x8d: {  	s2 =	sadd.s32 s2, s17  }
0x8e: {  	[smem:$0x3FC4] =	sst s2  }
0x8f: {  	_ = 	snop  }
0x90: {  	s2 =	sld [smem:$0x3FD0];
	(tm) =	ssettm $0x1  }
0x91: {  	s18 =	sld [smem:$0x3FFB];
	_ =	sdelay $0x3  }
0x92: {  	_ =	strace s18  }
0x93: {  	s3 =	sld [smem:$0x3FFC];
	_ =	sdelay $0x3  }
0x94: {  	_ =	strace s3  }
0x95: {  	s3 =	sld [smem:$0x3FFD];
	_ =	sdelay $0x3  }
0x96: {  	_ =	strace s3  }
0x97: {  	_ =	strace $0x8FFFFFFF  }
0x98: {  	s19 =	sld [smem:$0x3FDB];
	_ =	sdelay $0x1  }
0x99: {  	s4 =	simm.s32 $_scs_section_size  }
0x9a: {  	s5 =	simm.s32 $_size__tile_overlayer_lowered;
	s6 =	simm.s32 $_tile_overlayer_lowered  }
0x9b: {  	s22 =	simm.s32 $0x1BFF;
	s21 =	sshll.u32 s6, $0x1;
	s3 =	sadd.s32 s4, s19  }
0x9c: {  	s7 =	simm.s32 $0x0;
	s20 =	sshll.u32 s5, $0x1;
	s5 =	sadd.s32 s21, s3  }
0x9d: {  	[timem:s7], [sflag:s22] =	dma.local [hbm:s5], s20  }
0x9e: {  	_ =	swait.ge [sflag:s22], s20  }
0x9f: {  	s4 =	ssub.s32 $0x0, s20;
	[sflag:s22] =	ssyncset.done $0x0  }
0xa0: {  	[sflag:s22] =	ssyncadd.s32 s4;
	_ =	sdelay $0x1  }
0xa1: {  	s23 =	simm.s32 $0x1B8B  }
0xa2: {  	_ =	swait.ge [sflag:s23], $0x1  }
0xa3: {  	[sflag:s23] =	ssyncset.done $0x0  }
0xa4: {  	s25 =	simm.s32 $0x1B8E;
	s24 =	sld [smem:$0x3FFE];
	[sflag:s23] =	ssyncadd.s32 $0xFFFFFFFF  }
0xa5: {  	s26 =	simm.s32 $execute0_lowered;
	[smem:$0x3FD2] =	sst s25  }
0xa6: {  	s5 =	sshll.u32 s26, $0x1;
	_ =	strace $0x80000049;
	[dreg:$0x1] =	wrdreg $0xFFFFFFFF  }
0xa7: {  	s28 =	simm.s32 $_size_execute0_lowered;
	s3 =	sadd.s32 s3, s5;
	[dreg:$0x0] =	wrdreg $0x0  }
0xa8: {  	s5 =	sshll.u32 s28, $0x1;
	[dreg:$0x2] =	wrdreg s3  }
0xa9: {  	[dreg:$0x3] =	wrdreg s5  }
0xaa: {  	[dreg:$0x4] =	wrdreg $0xC0  }
0xab: {  	_ =	task [dreg:s7], $0x5FFFF  }
0xac: {  	[dreg:$0x1] =	wrdreg $0xFFFFFFFF  }
0xad: {  	[dreg:$0x0] =	wrdreg $0x60  }
0xae: {  	[dreg:$0x2] =	wrdreg s24  }
0xaf: {  	[dreg:$0x3] =	wrdreg s2  }
0xb0: {  	[dreg:$0x4] =	wrdreg $0x9  }
0xb1: {  	_ =	task.clear_ibuf [dreg:s7], $0x5FFFF;
	_ =	strace $0x90000049  }
0xb2: {  	s29 =	simm.s32 $0x9;
	_ =	strace $0x8000004B  }
0xb3: {  	_ =	swait.ge [sflag:s29], $0x1  }
0xb4: {  	[sflag:s29] =	ssyncadd.s32 $0xFFFFFFFF  }
0xb5: {  	_ =	strace $0x9000004B  }
0xb6: {  	_ =	sfence  }
0xb7: {  	s30 =	sld [smem:$0x0];
	_ =	sdelay $0x2  }
0xb8: {  	s31 =	sshll.u32 s1, $0xD;
	s1 =	sshrl.u32 s1, $0x2  }
0xb9: {  	s3 =	sand.u32 $0x4000, s31;
	s1 =	sadd.s32 s1, s30  }
0xba: {  	s0 =	sor.u32 s3, s0;
	s1 =	sshll.u32 s1, $0x11  }
0xbb: {  	s0 =	sor.u32 s1, s0  }
0xbc: {  	s0 =	sadd.s32 $0x8F2B, s0  }
0xbd: {  	[sflag:s0] =	ssyncadd.remote.s32 $0x1  }
0xbe: {  	_ =	sfence.sel $0xFFFF  }
0xbf: {  	[dreg:$0x0] =	wrdreg $0xFFFFFFFF;
	(pc) =	sbr.abs _section_cstart, $3  }
0xc0: {  	[dreg:$0x1] =	wrdreg $0xFFFFFFFF  }
0xc1: {  	_ =	task.clear_ibuf [dreg:s7], $0x2FFFF;
	_ =	strace $0x9FFFFFFF  }
0xc2: {  	(tm) =	ssettm $0x7FFFFFFF  }
0xc3: {  	_ =	shalt  }
tec
execute0_lowered:
.L_overlay_start_1:
0x0: {  	(tag) =	ssettag $0x1  }
0x1: {  	s0 =	rddreg [dreg:$0x0]  }
0x2: {  	s1 =	srdreg.scid;
	s5 =	stileid.u32  }
0x3: {  	s2 =	rddreg [dreg:$0x1];
	s3 =	simm.s32 $0x0;
	s8 =	simm.s32 $0x80  }
0x4: {  	s14 =	simm.s32 $0x9400;
	s15 =	simm.s32 $0x200;
	s16 =	simm.s32 $0xA400  }
0x5: {  	s17 =	simm.s32 $0x280;
	s18 =	simm.s32 $0xB400;
	s19 =	simm.s32 $0x300  }
0x6: {  	s20 =	simm.s32 $0xC400;
	s21 =	simm.s32 $0x380;
	s22 =	simm.s32 $0xD400  }
0x7: {  	s23 =	simm.s32 $0x400;
	s24 =	simm.s32 $0xE400;
	s25 =	simm.s32 $0x480  }
0x8: {  	s26 =	simm.s32 $0xF400;
	s1 =	sand.u32 $0x1, s1;
	s4 =	sshll.u32 s5, $0x1  }
0x9: {  	s28 =	simm.s32 $0x3;
	s5 =	smul.u32 $0x32000, s5;
	s4 =	sor.u32 s1, s4  }
0xa: {  	s29 =	simm.s32 $0x4;
	[smem:$0x7FF] =	sst s3;
	s4 =	smul.u32 $0x6400, s4  }
.Ltmp0:
0xb: {  	s30 =	simm.s32 $0x0;
	_ =	strace $0x8000004A;
	(pc) =	sbr.rel .LBB2_1-.Ltmp0, $4  }
0xc: {  	s6 =	ssub.s32 $0x2, s1;
	s1 =	smul.u32 $0x19000, s1;
	s4 =	sshrl.u32 s4, $0x3  }
0xd: {  	s7 =	sshrl.u32 s6, $0x1;
	s4 =	sadd.s32 s4, s0;
	s0 =	sadd.s32 s5, s0  }
0xe: {  	s31 =	ssub.s32 s6, s7;
	s7 =	simm.s32 $0x5;
	s0 =	sadd.s32 s1, s0  }
0xf: {  	s5 =	smax.u32 s31, $0x1;
	s4 =	sadd.s32 $0x32C00, s4;
	s6 =	sadd.s32 $0x4BC00, s0  }
.LBB2_8:
0x10: {  	s30 =	sadd.s32 $0x1, s30  }
0x11: {  	_ =	swait.ge [sflag:s28], $0xA000;
	p0 =	sne.s32 s30, s5  }
.Ltmp1:
0x12: {  	[sflag:s28] =	ssyncset.done $0x0;
	(pc) =	sbr.rel @!p0 .LBB2_9-.Ltmp1, $4  }
0x13: {  	[sflag:s28] =	ssyncadd.s32 $0xFFFF6000  }
0x14: {  	_ =	swait.ge [sflag:s29], $0xA000  }
0x15: {  	[sflag:s29] =	ssyncset.done $0x0  }
0x16: {  	[sflag:s29] =	ssyncadd.s32 $0xFFFF6000  }
.LBB2_1:
0x17: {  	[tilespmem:s3], [sflag:$0x5] =	stream.linear.gather [hbm4b:s4+s3], $0x6400, $0x38;
	[tilespmem:$0x1A400] =	vst v63  }
0x18: {  	_ =	swait.ge [sflag:s7], $0x6400  }
0x19: {  	[sflag:s7] =	ssyncset.done $0x0  }
0x1a: {  	s0 =	simm.s32 $0x6400;
	[sflag:s7] =	ssyncadd.s32 $0xFFFF9C00  }
0x1b: {  	[tilespmem:s0], [sflag:$0x1] =	stream.indirect.gather [hbm4b:s2+s8], $0x20, s3, s8, $0xb8;
	[tilespmem:$0x1A400] =	vst v63  }
0x1c: {  	s11 =	simm.s32 $0x7400  }
0x1d: {  	[tilespmem:s11], [sflag:$0x1] =	stream.indirect.gather [hbm4b:s2+s8], $0x20, s8, s8, $0xb8;
	[tilespmem:$0x1A400] =	vst v63  }
0x1e: {  	s12 =	simm.s32 $0x100;
	s1 =	simm.s32 $0x8400  }
0x1f: {  	[tilespmem:s1], [sflag:$0x1] =	stream.indirect.gather [hbm4b:s2+s8], $0x20, s12, s8, $0xb8;
	[tilespmem:$0x1A400] =	vst v63  }
0x20: {  	s13 =	simm.s32 $0x180  }
0x21: {  	[tilespmem:s14], [sflag:$0x1] =	stream.indirect.gather [hbm4b:s2+s8], $0x20, s13, s8, $0xb8;
	[tilespmem:$0x1A400] =	vst v63  }
0x22: {  	_ = 	snop  }
0x23: {  	[tilespmem:s16], [sflag:$0x1] =	stream.indirect.gather [hbm4b:s2+s8], $0x20, s15, s8, $0xb8;
	[tilespmem:$0x1A400] =	vst v63  }
0x24: {  	_ = 	snop  }
0x25: {  	[tilespmem:s18], [sflag:$0x1] =	stream.indirect.gather [hbm4b:s2+s8], $0x20, s17, s8, $0xb8;
	[tilespmem:$0x1A400] =	vst v63  }
0x26: {  	_ = 	snop  }
0x27: {  	[tilespmem:s20], [sflag:$0x1] =	stream.indirect.gather [hbm4b:s2+s8], $0x20, s19, s8, $0xb8;
	[tilespmem:$0x1A400] =	vst v63  }
0x28: {  	_ = 	snop  }
0x29: {  	[tilespmem:s22], [sflag:$0x1] =	stream.indirect.gather [hbm4b:s2+s8], $0x20, s21, s8, $0xb8;
	[tilespmem:$0x1A400] =	vst v63  }
.Ltmp2:
0x2a: {  	_ = 	snop;
	(pc) =	sbr.rel .LBB2_2-.Ltmp2, $4  }
0x2b: {  	_ = 	snop  }
0x2c: {  	[tilespmem:s24], [sflag:$0x1] =	stream.indirect.gather [hbm4b:s2+s8], $0x20, s23, s8, $0xb8;
	[tilespmem:$0x1A400] =	vst v63  }
0x2d: {  	s31 =	simm.s32 $0x0;
	s1 =	simm.s32 $0x0  }
0x2e: {  	[tilespmem:s26], [sflag:$0x1] =	stream.indirect.gather [hbm4b:s2+s8], $0x20, s25, s8, $0xb8;
	[tilespmem:$0x1A400] =	vst v63  }
.LBB2_3:
0x2f: {  	s9 =	simm.s32 $0x1  }
.LBB2_6:
0x30: {  	s10 =	smul.u32 $0x28000, s9;
	_ =	sdelay $0x1  }
0x31: {  	s11 =	sshra.s32 s31, $0x2;
	s10 =	sshrl.u32 s10, $0x2  }
0x32: {  	s9 =	sadd.s32 $0x1, s9;
	s13 =	sadd.s32 $0x500, s11;
	s12 =	sadd.s32 $0x6400, s10  }
0x33: {  	[tilespmem:s12], [sflag:s9] =	stream.indirect.gather [hbm4b:s2+s8], $0x20, s13, s8, $0xb8;
	[tilespmem:$0x1A400] =	vst v63  }
0x34: {  	s12 =	sadd.s32 $0x7400, s10;
	s13 =	sadd.s32 $0x580, s11  }
0x35: {  	[tilespmem:s12], [sflag:s9] =	stream.indirect.gather [hbm4b:s2+s8], $0x20, s13, s8, $0xb8;
	[tilespmem:$0x1A400] =	vst v63  }
0x36: {  	s12 =	sadd.s32 $0x8400, s10;
	s13 =	sadd.s32 $0x600, s11  }
0x37: {  	[tilespmem:s12], [sflag:s9] =	stream.indirect.gather [hbm4b:s2+s8], $0x20, s13, s8, $0xb8;
	[tilespmem:$0x1A400] =	vst v63  }
0x38: {  	s12 =	sadd.s32 $0x9400, s10;
	s13 =	sadd.s32 $0x680, s11  }
0x39: {  	[tilespmem:s12], [sflag:s9] =	stream.indirect.gather [hbm4b:s2+s8], $0x20, s13, s8, $0xb8;
	[tilespmem:$0x1A400] =	vst v63  }
0x3a: {  	s12 =	sadd.s32 $0xA400, s10;
	s13 =	sadd.s32 $0x700, s11  }
0x3b: {  	[tilespmem:s12], [sflag:s9] =	stream.indirect.gather [hbm4b:s2+s8], $0x20, s13, s8, $0xb8;
	[tilespmem:$0x1A400] =	vst v63  }
0x3c: {  	s12 =	sadd.s32 $0xB400, s10;
	s13 =	sadd.s32 $0x780, s11  }
0x3d: {  	[tilespmem:s12], [sflag:s9] =	stream.indirect.gather [hbm4b:s2+s8], $0x20, s13, s8, $0xb8;
	[tilespmem:$0x1A400] =	vst v63  }
0x3e: {  	s12 =	sadd.s32 $0xC400, s10;
	s13 =	sadd.s32 $0x800, s11  }
0x3f: {  	[tilespmem:s12], [sflag:s9] =	stream.indirect.gather [hbm4b:s2+s8], $0x20, s13, s8, $0xb8;
	[tilespmem:$0x1A400] =	vst v63  }
0x40: {  	s12 =	sadd.s32 $0xD400, s10;
	s13 =	sadd.s32 $0x880, s11  }
0x41: {  	[tilespmem:s12], [sflag:s9] =	stream.indirect.gather [hbm4b:s2+s8], $0x20, s13, s8, $0xb8;
	[tilespmem:$0x1A400] =	vst v63  }
0x42: {  	s12 =	sadd.s32 $0xE400, s10;
	s13 =	sadd.s32 $0x900, s11  }
0x43: {  	[tilespmem:s12], [sflag:s9] =	stream.indirect.gather [hbm4b:s2+s8], $0x20, s13, s8, $0xb8;
	[tilespmem:$0x1A400] =	vst v63  }
0x44: {  	s10 =	sadd.s32 $0xF400, s10;
	s11 =	sadd.s32 $0x980, s11  }
0x45: {  	[tilespmem:s10], [sflag:s9] =	stream.indirect.gather [hbm4b:s2+s8], $0x20, s11, s8, $0xb8;
	[tilespmem:$0x1A400] =	vst v63  }
.LBB2_7:
0x46: {  	s10 =	sadd.s32 s31, s6;
	s31 =	sadd.s32 $0x1400, s31  }
0x47: {  	s9 =	smul.u32 $0x28000, s0;
	p0 =	sne.s32 s31, $0x19000  }
.Ltmp3:
0x48: {  	_ = 	snop;
	(pc) =	sbr.rel @!p0 .LBB2_8-.Ltmp3, $4  }
0x49: {  	_ = 	snop  }
0x4a: {  	s9 =	sshrl.u32 s9, $0x2  }
0x4b: {  	s13 =	sadd.s32 $0x3, s0;
	s1 =	sadd.s32 $0x1, s1;
	s9 =	sadd.s32 $0x6400, s9  }
0x4c: {  	[hbm4b:s10+s3] =	stream.linear.scatter [tilespmem:s9], [sflag:s13], $0xA000, $0x38;
	[tilespmem:$0x1A400] =	vst v63  }
.LBB2_2:
0x4d: {  	p0 =	seq.s32 s1, $0x0  }
.Ltmp4:
0x4e: {  	s0 =	sand.u32 $0x1, s1;
	(pc) =	sbr.rel @p0 .LBB2_3-.Ltmp4, $4  }
0x4f: {  	s9 =	sadd.s32 $0x1, s0  }
0x50: {  	_ =	swait.ge [sflag:s9], $0xA000  }
0x51: {  	[sflag:s9] =	ssyncset.done $0x0  }
0x52: {  	[sflag:s9] =	ssyncadd.s32 $0xFFFF6000  }
0x53: {  	p0 =	seq.s32 s1, $0x13  }
.Ltmp5:
0x54: {  	_ = 	snop;
	(pc) =	sbr.rel @p0 .LBB2_7-.Ltmp5, $1  }
0x55: {  	_ =	sdelay $0x3  }
.Ltmp6:
0x56: {  	s9 =	sxor.u32 $0x1, s0;
	(pc) =	sbr.rel .LBB2_6-.Ltmp6, $4  }
0x57: {  	s10 =	sadd.s32 $0x3, s9  }
0x58: {  	_ =	swait.ge [sflag:s10], $0xA000  }
0x59: {  	[sflag:s10] =	ssyncset.done $0x0  }
0x5a: {  	[sflag:s10] =	ssyncadd.s32 $0xFFFF6000  }
.LBB2_9:
0x5b: {  	_ =	sfence.sel $0x180000  }
0x5c: {  	[bflag:$0x0] =	sbarrier.arrive $0xFFFF  }
0x5d: {  	_ =	strace $0x9000004A  }
0x5e: {  	s0 =	stileid.u32;
	[bflag:$0x2] =	sbarrier.arrive $0xFFFF  }
0x5f: {  	p0 =	sne.s32 s0, $0x0;
	s0 =	rddreg [dreg:$0x2]  }
0x60: {  	s0 =	sadd.s32 @!p0 $0x100000, s0  }
0x61: {  	[sflag:s0] =	ssyncadd.tile.s32 @!p0 $0x1;
	_ =	shalt  }
.Lfunc_end2:
_tile_overlayer_lowered:
.L_overlay_start_2:
0x62: {  	(tag) =	ssettag $0x2  }
0x63: {  	s0 =	rddreg [dreg:$0x0];
	s2 =	stileid.u32  }
0x64: {  	s1 =	rddreg [dreg:$0x1];
	p0 =	sne.s32 s2, $0x0  }
0x65: {  	s3 =	rddreg [dreg:$0x2];
	[bflag:$0x3] =	sbarrier.arrive $0xFFFF;
	s2 =	simm.s32 @!p0 $0x1C05  }
0x66: {  	[timem:s3], [sflag:s2] =	dma.local @!p0 [hbm:s0], s1  }
0x67: {  	s0 =	simm.s32 @!p0 $0x5  }
0x68: {  	_ =	swait.ge @!p0 [sflag:s0], s1  }
0x69: {  	s1 =	ssub.s32 @!p0 $0x0, s1;
	[sflag:s0] =	ssyncset.done @!p0 $0x0  }
0x6a: {  	[sflag:s0] =	ssyncadd.s32 @!p0 s1  }
0x6b: {  	[bflag:$0x3] =	sbarrier.arrive $0xFFFF  }
0x6c: {  	_ =	shalt  }

</sc_bundles>
